<compile_context>
chip_gen: v7x
topology: tpu7x:2x2x1
jax: 0.10.2.dev20260603
libtpu: 0.0.44.dev20260713+nightly
codegen_flags: <defaults>
</compile_context>

<pallas_src>
import functools

import jax
import jax.numpy as jnp
from jax import lax
from jax.experimental import pallas as pl
from jax.experimental.pallas import tpu as pltpu
from jax.experimental.pallas import tpu_sc as plsc

_R, _C = 128, 8192
_N = _R * _C
_NC, _NS, _L = 2, 16, 16
_NW = _NC * _NS
_ROWS_W = _R // _NW
_UNROLL = 8
_NACC = 4

_C0 = -1.82562255859375
_C1 = 2.9512929916381836
_C2 = -1.4271800518035889
_C3 = 0.3017500042915344
_LN2 = 0.6931471805599453
_EXP_REBASE = 0x3F3504F3


def _loss_vec(yv, tv):
    a = jnp.where(tv == 1.0, yv, 1.0 - yv)
    ib = lax.bitcast_convert_type(a, jnp.int32)
    e = (ib - _EXP_REBASE) >> 23
    m = lax.bitcast_convert_type(ib - (e << 23), jnp.float32)
    p = _C3 * m + _C2
    p = p * m + _C1
    p = p * m + _C0
    loga = e.astype(jnp.float32) * _LN2 + p
    return (a - 1.0) * loga


def _make_sc_kernel():
    mesh = plsc.VectorSubcoreMesh(core_axis_name="c", subcore_axis_name="s")
    iters = _ROWS_W * _C // (_UNROLL * _L)

    @functools.partial(
        pl.kernel,
        mesh=mesh,
        out_type=jax.ShapeDtypeStruct((_NW * _L,), jnp.float32),
        scratch_types=[
            pltpu.VMEM((_ROWS_W, _C), jnp.float32),
            pltpu.VMEM((_ROWS_W, _C), jnp.float32),
            pltpu.VMEM((_L,), jnp.float32),
            pltpu.SemaphoreType.DMA,
        ],
    )
    def _sc(y_hbm, t_hbm, out_hbm, yb, tb, accb, sem):
        wid = lax.axis_index("s") * _NC + lax.axis_index("c")
        row0 = wid * _ROWS_W
        cy = pltpu.make_async_copy(y_hbm.at[pl.ds(row0, _ROWS_W)], yb, sem)
        ct = pltpu.make_async_copy(t_hbm.at[pl.ds(row0, _ROWS_W)], tb, sem)
        cy.start()
        ct.start()
        cy.wait()
        ct.wait()

        iters_row = _C // (_UNROLL * _L)

        def body(i, accs):
            r = i // iters_row
            col = (i % iters_row) * (_UNROLL * _L)
            new = list(accs)
            for u in range(_UNROLL):
                off = col + u * _L
                yv = yb[r, pl.ds(off, _L)]
                tv = tb[r, pl.ds(off, _L)]
                new[u % _NACC] = new[u % _NACC] + _loss_vec(yv, tv)
            return tuple(new)

        accs = tuple(jnp.zeros((_L,), jnp.float32) for _ in range(_NACC))
        accs = lax.fori_loop(0, iters, body, accs)
        accb[...] = accs[0] + accs[1] + accs[2] + accs[3]
        pltpu.sync_copy(accb, out_hbm.at[pl.ds(wid * _L, _L)])

    return _sc


_sc_kernel = _make_sc_kernel()


def kernel(y, target):
    part = _sc_kernel(y, target)
    return jnp.sum(part) / _N

# --- scband reference (transcript-rebuilt; emitter-appended) ---
"""Pipeline reference for scband-focal-loss-42880953483717 (READ-ONLY COPY).

The authoritative reference and input builder live on the scoring server;
editing this copy changes nothing except your own understanding.
"""

import jax, jax.numpy as jnp
import numpy as np

N_EXP = 1

def setup_inputs(seed: int = 0) -> dict:
    key = jax.random.key(seed)
    k1, k2 = jax.random.split(key)
    # y are probabilities in (0,1); keep strictly away from {0,1} so log() is finite
    y = jax.random.uniform(k1, (128, 8192), dtype=jnp.float32) * 0.98 + 0.01
    # binary targets, stored as float32 (they participate in float arithmetic in forward)
    target = jax.random.randint(k2, (128, 8192), 0, 2).astype(jnp.float32)
    return {"y": y, "target": target}

def reference(y, target):
    # Original torch code masks y/target into positive (target==1) and negative (target==0)
    # subsets, computes the focal terms on each, concatenates and takes the mean.
    # Since target is binary, the disjoint union of the two subsets covers every element,
    # so this equals an elementwise select followed by a global mean (same math).
    n = N_EXP
    p_loss = -target * jnp.log(y) * (1.0 - y) ** n
    n_loss = -(1.0 - target) * jnp.log(1.0 - y) * y ** n
    loss_elem = jnp.where(target == 1, p_loss, n_loss)
    return jnp.mean(loss_elem)

if __name__ == "__main__":
    import jax
    _d = setup_inputs()
    print(jax.jit(kernel)(*tuple(_d.values())))

</pallas_src>

<mosaic_0001>
#map = affine_map<(d0, d1) -> (0, 0)>
#map1 = affine_map<(d0, d1) -> (0)>
module attributes {stable_mosaic.version = 14 : i64} {
  func.func @_sc(%arg0: i32, %arg1: i32, %arg2: memref<128x8192xf32, #tpu.memory_space<hbm>>, %arg3: memref<128x8192xf32, #tpu.memory_space<hbm>>, %arg4: memref<512xf32, #tpu.memory_space<hbm>>, %arg5: memref<4x8192xf32, #tpu.memory_space<vmem>>, %arg6: memref<4x8192xf32, #tpu.memory_space<vmem>>, %arg7: memref<16xf32, #tpu.memory_space<vmem>>, %arg8: memref<!tpu.dma_semaphore, #tpu.memory_space<semaphore_mem>>) attributes {dimension_semantics = [#tpu.dimension_semantics<core_parallel>, #tpu.dimension_semantics<subcore_parallel>], iteration_bounds = array<i64: 2, 16>, scalar_prefetch = 0 : i64, scratch_operands = 4 : i64, tpu.core_type = #tpu.core_type<sc_vector_subcore>, window_params = [{transform_indices = #map}, {transform_indices = #map}, {transform_indices = #map1}]} {
    %mul3A = arith.constant 2 : i32
    %mul3A_0 = arith.muli %arg1, %mul3A : i32
    %add3A = arith.addi %mul3A_0, %arg0 : i32
    %mul3A_1 = arith.constant 4 : i32
    %mul3A_2 = arith.muli %add3A, %mul3A_1 : i32
    %dma_start3A = arith.constant 0 : i32
    %dma_start3A_3 = tpu.memref_slice %arg2[%mul3A_2, %dma_start3A] : memref<128x8192xf32, #tpu.memory_space<hbm>> -> memref<4x8192xf32, #tpu.memory_space<hbm>>
    %dma_start3A_4 = arith.constant 0 : i32
    %dma_start3A_5 = tpu.memref_slice %arg2[%mul3A_2, %dma_start3A_4] : memref<128x8192xf32, #tpu.memory_space<hbm>> -> memref<4x8192xf32, #tpu.memory_space<hbm>>
    tpu.enqueue_dma source(%dma_start3A_5 : memref<4x8192xf32, #tpu.memory_space<hbm>>) target(%arg5 : memref<4x8192xf32, #tpu.memory_space<vmem>>) target_semaphore(%arg8 : memref<!tpu.dma_semaphore, #tpu.memory_space<semaphore_mem>>)
    %dma_start3A_6 = arith.constant 0 : i32
    %dma_start3A_7 = tpu.memref_slice %arg3[%mul3A_2, %dma_start3A_6] : memref<128x8192xf32, #tpu.memory_space<hbm>> -> memref<4x8192xf32, #tpu.memory_space<hbm>>
    %dma_start3A_8 = arith.constant 0 : i32
    %dma_start3A_9 = tpu.memref_slice %arg3[%mul3A_2, %dma_start3A_8] : memref<128x8192xf32, #tpu.memory_space<hbm>> -> memref<4x8192xf32, #tpu.memory_space<hbm>>
    tpu.enqueue_dma source(%dma_start3A_9 : memref<4x8192xf32, #tpu.memory_space<hbm>>) target(%arg6 : memref<4x8192xf32, #tpu.memory_space<vmem>>) target_semaphore(%arg8 : memref<!tpu.dma_semaphore, #tpu.memory_space<semaphore_mem>>)
    %dma_wait3A = arith.constant 0 : i32
    %dma_wait3A_10 = tpu.memref_slice %arg2[%mul3A_2, %dma_wait3A] : memref<128x8192xf32, #tpu.memory_space<hbm>> -> memref<4x8192xf32, #tpu.memory_space<hbm>>
    %dma_wait3A_11 = arith.constant 0 : i32
    %dma_wait3A_12 = tpu.memref_slice %arg2[%mul3A_2, %dma_wait3A_11] : memref<128x8192xf32, #tpu.memory_space<hbm>> -> memref<4x8192xf32, #tpu.memory_space<hbm>>
    tpu.wait_dma2 semaphore(%arg8 : memref<!tpu.dma_semaphore, #tpu.memory_space<semaphore_mem>>) src(%dma_wait3A_12 : memref<4x8192xf32, #tpu.memory_space<hbm>>) dst(%arg5 : memref<4x8192xf32, #tpu.memory_space<vmem>>)
    %dma_wait3A_13 = arith.constant 0 : i32
    %dma_wait3A_14 = tpu.memref_slice %arg3[%mul3A_2, %dma_wait3A_13] : memref<128x8192xf32, #tpu.memory_space<hbm>> -> memref<4x8192xf32, #tpu.memory_space<hbm>>
    %dma_wait3A_15 = arith.constant 0 : i32
    %dma_wait3A_16 = tpu.memref_slice %arg3[%mul3A_2, %dma_wait3A_15] : memref<128x8192xf32, #tpu.memory_space<hbm>> -> memref<4x8192xf32, #tpu.memory_space<hbm>>
    tpu.wait_dma2 semaphore(%arg8 : memref<!tpu.dma_semaphore, #tpu.memory_space<semaphore_mem>>) src(%dma_wait3A_16 : memref<4x8192xf32, #tpu.memory_space<hbm>>) dst(%arg6 : memref<4x8192xf32, #tpu.memory_space<vmem>>)
    %broadcast_in_dim3A = arith.constant 0.000000e+00 : f32
    %broadcast_in_dim3A_17 = vector.broadcast %broadcast_in_dim3A : f32 to vector<16xf32>
    %broadcast_in_dim3A_18 = arith.constant 0.000000e+00 : f32
    %broadcast_in_dim3A_19 = vector.broadcast %broadcast_in_dim3A_18 : f32 to vector<16xf32>
    %broadcast_in_dim3A_20 = arith.constant 0.000000e+00 : f32
    %broadcast_in_dim3A_21 = vector.broadcast %broadcast_in_dim3A_20 : f32 to vector<16xf32>
    %broadcast_in_dim3A_22 = arith.constant 0.000000e+00 : f32
    %broadcast_in_dim3A_23 = vector.broadcast %broadcast_in_dim3A_22 : f32 to vector<16xf32>
    %scan3A = arith.constant 0 : i32
    %scan3A_24 = arith.constant 256 : i32
    %scan3A_25 = arith.addi %scan3A, %scan3A_24 : i32
    %scan3A_26 = arith.constant 1 : i32
    %scan3A_27:4 = scf.for %scan3A_37 = %scan3A to %scan3A_25 step %scan3A_26 iter_args(%scan3A_38 = %broadcast_in_dim3A_17, %scan3A_39 = %broadcast_in_dim3A_19, %scan3A_40 = %broadcast_in_dim3A_21, %scan3A_41 = %broadcast_in_dim3A_23) -> (vector<16xf32>, vector<16xf32>, vector<16xf32>, vector<16xf32>)  : i32 {
      %jit3A = arith.constant 64 : i32
      %div3A = arith.divsi %scan3A_37, %jit3A : i32
      %sign3A = arith.constant 0 : i32
      %sign3A_42 = arith.cmpi sgt, %scan3A_37, %sign3A : i32
      %sign3A_43 = arith.extui %sign3A_42 : i1 to i32
      %sign3A_44 = arith.constant 0 : i32
      %sign3A_45 = arith.cmpi slt, %scan3A_37, %sign3A_44 : i32
      %sign3A_46 = arith.extui %sign3A_45 : i1 to i32
      %sign3A_47 = arith.subi %sign3A_43, %sign3A_46 : i32
      %sign3A_48 = arith.constant 0 : i32
      %sign3A_49 = arith.cmpi sgt, %jit3A, %sign3A_48 : i32
      %sign3A_50 = arith.extui %sign3A_49 : i1 to i32
      %sign3A_51 = arith.constant 0 : i32
      %sign3A_52 = arith.cmpi slt, %jit3A, %sign3A_51 : i32
      %sign3A_53 = arith.extui %sign3A_52 : i1 to i32
      %sign3A_54 = arith.subi %sign3A_50, %sign3A_53 : i32
      %ne3A = arith.cmpi ne, %sign3A_47, %sign3A_54 : i32
      %rem3A = arith.remsi %scan3A_37, %jit3A : i32
      %ne3A_55 = arith.constant 0 : i32
      %ne3A_56 = arith.cmpi ne, %rem3A, %ne3A_55 : i32
      %and3A = arith.andi %ne3A, %ne3A_56 : i1
      %sub3A = arith.constant 1 : i32
      %sub3A_57 = arith.subi %div3A, %sub3A : i32
      %select_n3A = arith.select %and3A, %sub3A_57, %div3A : i32
      %jit3A_58 = arith.constant 64 : i32
      %eq3A = arith.constant 0 : i32
      %eq3A_59 = arith.cmpi eq, %jit3A_58, %eq3A : i32
      %jit3A_60 = arith.constant 1 : i32
      %select_n3A_61 = arith.select %eq3A_59, %jit3A_60, %jit3A_58 : i32
      %rem3A_62 = arith.remsi %scan3A_37, %select_n3A_61 : i32
      %ne3A_63 = arith.constant 0 : i32
      %ne3A_64 = arith.cmpi ne, %rem3A_62, %ne3A_63 : i32
      %lt3A = arith.constant 0 : i32
      %lt3A_65 = arith.cmpi slt, %rem3A_62, %lt3A : i32
      %lt3A_66 = arith.constant 0 : i32
      %lt3A_67 = arith.cmpi slt, %select_n3A_61, %lt3A_66 : i32
      %ne3A_68 = arith.xori %lt3A_65, %lt3A_67 : i1
      %and3A_69 = arith.andi %ne3A_68, %ne3A_64 : i1
      %add3A_70 = arith.addi %rem3A_62, %select_n3A_61 : i32
      %select_n3A_71 = arith.select %and3A_69, %add3A_70, %rem3A_62 : i32
      %mul3A_72 = arith.constant 128 : i32
      %mul3A_73 = arith.muli %select_n3A_71, %mul3A_72 : i32
      %add3A_74 = arith.constant 0 : i32
      %add3A_75 = arith.addi %mul3A_73, %add3A_74 : i32
      %get3A = arith.index_cast %select_n3A : i32 to index
      %get3A_76 = arith.index_cast %add3A_75 : i32 to index
      %get3A_77 = tpu.vector_load %arg5[%get3A, %get3A_76] {strides = array<i32>} : memref<4x8192xf32, #tpu.memory_space<vmem>>, vector<1x16xf32>,
      %get3A_78 = vector.shape_cast %get3A_77 : vector<1x16xf32> to vector<16xf32>
      %get3A_79 = arith.index_cast %select_n3A : i32 to index
      %get3A_80 = arith.index_cast %add3A_75 : i32 to index
      %get3A_81 = tpu.vector_load %arg6[%get3A_79, %get3A_80] {strides = array<i32>} : memref<4x8192xf32, #tpu.memory_space<vmem>>, vector<1x16xf32>,
      %get3A_82 = vector.shape_cast %get3A_81 : vector<1x16xf32> to vector<16xf32>
      %eq3A_83 = arith.constant 1.000000e+00 : f32
      %eq3A_84 = vector.broadcast %eq3A_83 : f32 to vector<16xf32>
      %eq3A_85 = arith.cmpf oeq, %get3A_82, %eq3A_84 : vector<16xf32>
      %sub3A_86 = arith.constant 1.000000e+00 : f32
      %sub3A_87 = vector.broadcast %sub3A_86 : f32 to vector<16xf32>
      %sub3A_88 = arith.subf %sub3A_87, %get3A_78 : vector<16xf32>
      %select_n3A_89 = arith.select %eq3A_85, %get3A_78, %sub3A_88 : vector<16xi1>, vector<16xf32>
      %bitcast_convert_type3A = tpu.bitcast %select_n3A_89 : vector<16xf32> -> vector<16xi32>
      %sub3A_90 = arith.constant 1060439283 : i32
      %sub3A_91 = vector.broadcast %sub3A_90 : i32 to vector<16xi32>
      %sub3A_92 = arith.subi %bitcast_convert_type3A, %sub3A_91 : vector<16xi32>
      %shift_right_arithmetic3A = arith.constant 23 : i32
      %shift_right_arithmetic3A_93 = vector.broadcast %shift_right_arithmetic3A : i32 to vector<16xi32>
      %shift_right_arithmetic3A_94 = arith.shrsi %sub3A_92, %shift_right_arithmetic3A_93 : vector<16xi32>
      %shift_left3A = arith.constant 23 : i32
      %shift_left3A_95 = vector.broadcast %shift_left3A : i32 to vector<16xi32>
      %shift_left3A_96 = arith.shli %shift_right_arithmetic3A_94, %shift_left3A_95 : vector<16xi32>
      %sub3A_97 = arith.subi %bitcast_convert_type3A, %shift_left3A_96 : vector<16xi32>
      %bitcast_convert_type3A_98 = tpu.bitcast %sub3A_97 : vector<16xi32> -> vector<16xf32>
      %mul3A_99 = arith.constant 3.017500e-01 : f32
      %mul3A_100 = vector.broadcast %mul3A_99 : f32 to vector<16xf32>
      %mul3A_101 = arith.mulf %mul3A_100, %bitcast_convert_type3A_98 : vector<16xf32>
      %add3A_102 = arith.constant -1.427180e+00 : f32
      %add3A_103 = vector.broadcast %add3A_102 : f32 to vector<16xf32>
      %add3A_104 = arith.addf %mul3A_101, %add3A_103 : vector<16xf32>
      %mul3A_105 = arith.mulf %add3A_104, %bitcast_convert_type3A_98 : vector<16xf32>
      %add3A_106 = arith.constant 2.95129299 : f32
      %add3A_107 = vector.broadcast %add3A_106 : f32 to vector<16xf32>
      %add3A_108 = arith.addf %mul3A_105, %add3A_107 : vector<16xf32>
      %mul3A_109 = arith.mulf %add3A_108, %bitcast_convert_type3A_98 : vector<16xf32>
      %add3A_110 = arith.constant -1.82562256 : f32
      %add3A_111 = vector.broadcast %add3A_110 : f32 to vector<16xf32>
      %add3A_112 = arith.addf %mul3A_109, %add3A_111 : vector<16xf32>
      %convert_element_type3A = arith.sitofp %shift_right_arithmetic3A_94 : vector<16xi32> to vector<16xf32>
      %mul3A_113 = arith.constant 0.693147182 : f32
      %mul3A_114 = vector.broadcast %mul3A_113 : f32 to vector<16xf32>
      %mul3A_115 = arith.mulf %convert_element_type3A, %mul3A_114 : vector<16xf32>
      %add3A_116 = arith.addf %mul3A_115, %add3A_112 : vector<16xf32>
      %sub3A_117 = arith.constant 1.000000e+00 : f32
      %sub3A_118 = vector.broadcast %sub3A_117 : f32 to vector<16xf32>
      %sub3A_119 = arith.subf %select_n3A_89, %sub3A_118 : vector<16xf32>
      %mul3A_120 = arith.mulf %sub3A_119, %add3A_116 : vector<16xf32>
      %add3A_121 = arith.addf %scan3A_38, %mul3A_120 : vector<16xf32>
      %add3A_122 = arith.constant 16 : i32
      %add3A_123 = arith.addi %mul3A_73, %add3A_122 : i32
      %get3A_124 = arith.index_cast %select_n3A : i32 to index
      %get3A_125 = arith.index_cast %add3A_123 : i32 to index
      %get3A_126 = tpu.vector_load %arg5[%get3A_124, %get3A_125] {strides = array<i32>} : memref<4x8192xf32, #tpu.memory_space<vmem>>, vector<1x16xf32>,
      %get3A_127 = vector.shape_cast %get3A_126 : vector<1x16xf32> to vector<16xf32>
      %get3A_128 = arith.index_cast %select_n3A : i32 to index
      %get3A_129 = arith.index_cast %add3A_123 : i32 to index
      %get3A_130 = tpu.vector_load %arg6[%get3A_128, %get3A_129] {strides = array<i32>} : memref<4x8192xf32, #tpu.memory_space<vmem>>, vector<1x16xf32>,
      %get3A_131 = vector.shape_cast %get3A_130 : vector<1x16xf32> to vector<16xf32>
      %eq3A_132 = arith.constant 1.000000e+00 : f32
      %eq3A_133 = vector.broadcast %eq3A_132 : f32 to vector<16xf32>
      %eq3A_134 = arith.cmpf oeq, %get3A_131, %eq3A_133 : vector<16xf32>
      %sub3A_135 = arith.constant 1.000000e+00 : f32
      %sub3A_136 = vector.broadcast %sub3A_135 : f32 to vector<16xf32>
      %sub3A_137 = arith.subf %sub3A_136, %get3A_127 : vector<16xf32>
      %select_n3A_138 = arith.select %eq3A_134, %get3A_127, %sub3A_137 : vector<16xi1>, vector<16xf32>
      %bitcast_convert_type3A_139 = tpu.bitcast %select_n3A_138 : vector<16xf32> -> vector<16xi32>
      %sub3A_140 = arith.constant 1060439283 : i32
      %sub3A_141 = vector.broadcast %sub3A_140 : i32 to vector<16xi32>
      %sub3A_142 = arith.subi %bitcast_convert_type3A_139, %sub3A_141 : vector<16xi32>
      %shift_right_arithmetic3A_143 = arith.constant 23 : i32
      %shift_right_arithmetic3A_144 = vector.broadcast %shift_right_arithmetic3A_143 : i32 to vector<16xi32>
      %shift_right_arithmetic3A_145 = arith.shrsi %sub3A_142, %shift_right_arithmetic3A_144 : vector<16xi32>
      %shift_left3A_146 = arith.constant 23 : i32
      %shift_left3A_147 = vector.broadcast %shift_left3A_146 : i32 to vector<16xi32>
      %shift_left3A_148 = arith.shli %shift_right_arithmetic3A_145, %shift_left3A_147 : vector<16xi32>
      %sub3A_149 = arith.subi %bitcast_convert_type3A_139, %shift_left3A_148 : vector<16xi32>
      %bitcast_convert_type3A_150 = tpu.bitcast %sub3A_149 : vector<16xi32> -> vector<16xf32>
      %mul3A_151 = arith.constant 3.017500e-01 : f32
      %mul3A_152 = vector.broadcast %mul3A_151 : f32 to vector<16xf32>
      %mul3A_153 = arith.mulf %mul3A_152, %bitcast_convert_type3A_150 : vector<16xf32>
      %add3A_154 = arith.constant -1.427180e+00 : f32
      %add3A_155 = vector.broadcast %add3A_154 : f32 to vector<16xf32>
      %add3A_156 = arith.addf %mul3A_153, %add3A_155 : vector<16xf32>
      %mul3A_157 = arith.mulf %add3A_156, %bitcast_convert_type3A_150 : vector<16xf32>
      %add3A_158 = arith.constant 2.95129299 : f32
      %add3A_159 = vector.broadcast %add3A_158 : f32 to vector<16xf32>
      %add3A_160 = arith.addf %mul3A_157, %add3A_159 : vector<16xf32>
      %mul3A_161 = arith.mulf %add3A_160, %bitcast_convert_type3A_150 : vector<16xf32>
      %add3A_162 = arith.constant -1.82562256 : f32
      %add3A_163 = vector.broadcast %add3A_162 : f32 to vector<16xf32>
      %add3A_164 = arith.addf %mul3A_161, %add3A_163 : vector<16xf32>
      %convert_element_type3A_165 = arith.sitofp %shift_right_arithmetic3A_145 : vector<16xi32> to vector<16xf32>
      %mul3A_166 = arith.constant 0.693147182 : f32
      %mul3A_167 = vector.broadcast %mul3A_166 : f32 to vector<16xf32>
      %mul3A_168 = arith.mulf %convert_element_type3A_165, %mul3A_167 : vector<16xf32>
      %add3A_169 = arith.addf %mul3A_168, %add3A_164 : vector<16xf32>
      %sub3A_170 = arith.constant 1.000000e+00 : f32
      %sub3A_171 = vector.broadcast %sub3A_170 : f32 to vector<16xf32>
      %sub3A_172 = arith.subf %select_n3A_138, %sub3A_171 : vector<16xf32>
      %mul3A_173 = arith.mulf %sub3A_172, %add3A_169 : vector<16xf32>
      %add3A_174 = arith.addf %scan3A_39, %mul3A_173 : vector<16xf32>
      %add3A_175 = arith.constant 32 : i32
      %add3A_176 = arith.addi %mul3A_73, %add3A_175 : i32
      %get3A_177 = arith.index_cast %select_n3A : i32 to index
      %get3A_178 = arith.index_cast %add3A_176 : i32 to index
      %get3A_179 = tpu.vector_load %arg5[%get3A_177, %get3A_178] {strides = array<i32>} : memref<4x8192xf32, #tpu.memory_space<vmem>>, vector<1x16xf32>,
      %get3A_180 = vector.shape_cast %get3A_179 : vector<1x16xf32> to vector<16xf32>
      %get3A_181 = arith.index_cast %select_n3A : i32 to index
      %get3A_182 = arith.index_cast %add3A_176 : i32 to index
      %get3A_183 = tpu.vector_load %arg6[%get3A_181, %get3A_182] {strides = array<i32>} : memref<4x8192xf32, #tpu.memory_space<vmem>>, vector<1x16xf32>,
      %get3A_184 = vector.shape_cast %get3A_183 : vector<1x16xf32> to vector<16xf32>
      %eq3A_185 = arith.constant 1.000000e+00 : f32
      %eq3A_186 = vector.broadcast %eq3A_185 : f32 to vector<16xf32>
      %eq3A_187 = arith.cmpf oeq, %get3A_184, %eq3A_186 : vector<16xf32>
      %sub3A_188 = arith.constant 1.000000e+00 : f32
      %sub3A_189 = vector.broadcast %sub3A_188 : f32 to vector<16xf32>
      %sub3A_190 = arith.subf %sub3A_189, %get3A_180 : vector<16xf32>
      %select_n3A_191 = arith.select %eq3A_187, %get3A_180, %sub3A_190 : vector<16xi1>, vector<16xf32>
      %bitcast_convert_type3A_192 = tpu.bitcast %select_n3A_191 : vector<16xf32> -> vector<16xi32>
      %sub3A_193 = arith.constant 1060439283 : i32
      %sub3A_194 = vector.broadcast %sub3A_193 : i32 to vector<16xi32>
      %sub3A_195 = arith.subi %bitcast_convert_type3A_192, %sub3A_194 : vector<16xi32>
      %shift_right_arithmetic3A_196 = arith.constant 23 : i32
      %shift_right_arithmetic3A_197 = vector.broadcast %shift_right_arithmetic3A_196 : i32 to vector<16xi32>
      %shift_right_arithmetic3A_198 = arith.shrsi %sub3A_195, %shift_right_arithmetic3A_197 : vector<16xi32>
      %shift_left3A_199 = arith.constant 23 : i32
      %shift_left3A_200 = vector.broadcast %shift_left3A_199 : i32 to vector<16xi32>
      %shift_left3A_201 = arith.shli %shift_right_arithmetic3A_198, %shift_left3A_200 : vector<16xi32>
      %sub3A_202 = arith.subi %bitcast_convert_type3A_192, %shift_left3A_201 : vector<16xi32>
      %bitcast_convert_type3A_203 = tpu.bitcast %sub3A_202 : vector<16xi32> -> vector<16xf32>
      %mul3A_204 = arith.constant 3.017500e-01 : f32
      %mul3A_205 = vector.broadcast %mul3A_204 : f32 to vector<16xf32>
      %mul3A_206 = arith.mulf %mul3A_205, %bitcast_convert_type3A_203 : vector<16xf32>
      %add3A_207 = arith.constant -1.427180e+00 : f32
      %add3A_208 = vector.broadcast %add3A_207 : f32 to vector<16xf32>
      %add3A_209 = arith.addf %mul3A_206, %add3A_208 : vector<16xf32>
      %mul3A_210 = arith.mulf %add3A_209, %bitcast_convert_type3A_203 : vector<16xf32>
      %add3A_211 = arith.constant 2.95129299 : f32
      %add3A_212 = vector.broadcast %add3A_211 : f32 to vector<16xf32>
      %add3A_213 = arith.addf %mul3A_210, %add3A_212 : vector<16xf32>
      %mul3A_214 = arith.mulf %add3A_213, %bitcast_convert_type3A_203 : vector<16xf32>
      %add3A_215 = arith.constant -1.82562256 : f32
      %add3A_216 = vector.broadcast %add3A_215 : f32 to vector<16xf32>
      %add3A_217 = arith.addf %mul3A_214, %add3A_216 : vector<16xf32>
      %convert_element_type3A_218 = arith.sitofp %shift_right_arithmetic3A_198 : vector<16xi32> to vector<16xf32>
      %mul3A_219 = arith.constant 0.693147182 : f32
      %mul3A_220 = vector.broadcast %mul3A_219 : f32 to vector<16xf32>
      %mul3A_221 = arith.mulf %convert_element_type3A_218, %mul3A_220 : vector<16xf32>
      %add3A_222 = arith.addf %mul3A_221, %add3A_217 : vector<16xf32>
      %sub3A_223 = arith.constant 1.000000e+00 : f32
      %sub3A_224 = vector.broadcast %sub3A_223 : f32 to vector<16xf32>
      %sub3A_225 = arith.subf %select_n3A_191, %sub3A_224 : vector<16xf32>
      %mul3A_226 = arith.mulf %sub3A_225, %add3A_222 : vector<16xf32>
      %add3A_227 = arith.addf %scan3A_40, %mul3A_226 : vector<16xf32>
      %add3A_228 = arith.constant 48 : i32
      %add3A_229 = arith.addi %mul3A_73, %add3A_228 : i32
      %get3A_230 = arith.index_cast %select_n3A : i32 to index
      %get3A_231 = arith.index_cast %add3A_229 : i32 to index
      %get3A_232 = tpu.vector_load %arg5[%get3A_230, %get3A_231] {strides = array<i32>} : memref<4x8192xf32, #tpu.memory_space<vmem>>, vector<1x16xf32>,
      %get3A_233 = vector.shape_cast %get3A_232 : vector<1x16xf32> to vector<16xf32>
      %get3A_234 = arith.index_cast %select_n3A : i32 to index
      %get3A_235 = arith.index_cast %add3A_229 : i32 to index
      %get3A_236 = tpu.vector_load %arg6[%get3A_234, %get3A_235] {strides = array<i32>} : memref<4x8192xf32, #tpu.memory_space<vmem>>, vector<1x16xf32>,
      %get3A_237 = vector.shape_cast %get3A_236 : vector<1x16xf32> to vector<16xf32>
      %eq3A_238 = arith.constant 1.000000e+00 : f32
      %eq3A_239 = vector.broadcast %eq3A_238 : f32 to vector<16xf32>
      %eq3A_240 = arith.cmpf oeq, %get3A_237, %eq3A_239 : vector<16xf32>
      %sub3A_241 = arith.constant 1.000000e+00 : f32
      %sub3A_242 = vector.broadcast %sub3A_241 : f32 to vector<16xf32>
      %sub3A_243 = arith.subf %sub3A_242, %get3A_233 : vector<16xf32>
      %select_n3A_244 = arith.select %eq3A_240, %get3A_233, %sub3A_243 : vector<16xi1>, vector<16xf32>
      %bitcast_convert_type3A_245 = tpu.bitcast %select_n3A_244 : vector<16xf32> -> vector<16xi32>
      %sub3A_246 = arith.constant 1060439283 : i32
      %sub3A_247 = vector.broadcast %sub3A_246 : i32 to vector<16xi32>
      %sub3A_248 = arith.subi %bitcast_convert_type3A_245, %sub3A_247 : vector<16xi32>
      %shift_right_arithmetic3A_249 = arith.constant 23 : i32
      %shift_right_arithmetic3A_250 = vector.broadcast %shift_right_arithmetic3A_249 : i32 to vector<16xi32>
      %shift_right_arithmetic3A_251 = arith.shrsi %sub3A_248, %shift_right_arithmetic3A_250 : vector<16xi32>
      %shift_left3A_252 = arith.constant 23 : i32
      %shift_left3A_253 = vector.broadcast %shift_left3A_252 : i32 to vector<16xi32>
      %shift_left3A_254 = arith.shli %shift_right_arithmetic3A_251, %shift_left3A_253 : vector<16xi32>
      %sub3A_255 = arith.subi %bitcast_convert_type3A_245, %shift_left3A_254 : vector<16xi32>
      %bitcast_convert_type3A_256 = tpu.bitcast %sub3A_255 : vector<16xi32> -> vector<16xf32>
      %mul3A_257 = arith.constant 3.017500e-01 : f32
      %mul3A_258 = vector.broadcast %mul3A_257 : f32 to vector<16xf32>
      %mul3A_259 = arith.mulf %mul3A_258, %bitcast_convert_type3A_256 : vector<16xf32>
      %add3A_260 = arith.constant -1.427180e+00 : f32
      %add3A_261 = vector.broadcast %add3A_260 : f32 to vector<16xf32>
      %add3A_262 = arith.addf %mul3A_259, %add3A_261 : vector<16xf32>
      %mul3A_263 = arith.mulf %add3A_262, %bitcast_convert_type3A_256 : vector<16xf32>
      %add3A_264 = arith.constant 2.95129299 : f32
      %add3A_265 = vector.broadcast %add3A_264 : f32 to vector<16xf32>
      %add3A_266 = arith.addf %mul3A_263, %add3A_265 : vector<16xf32>
      %mul3A_267 = arith.mulf %add3A_266, %bitcast_convert_type3A_256 : vector<16xf32>
      %add3A_268 = arith.constant -1.82562256 : f32
      %add3A_269 = vector.broadcast %add3A_268 : f32 to vector<16xf32>
      %add3A_270 = arith.addf %mul3A_267, %add3A_269 : vector<16xf32>
      %convert_element_type3A_271 = arith.sitofp %shift_right_arithmetic3A_251 : vector<16xi32> to vector<16xf32>
      %mul3A_272 = arith.constant 0.693147182 : f32
      %mul3A_273 = vector.broadcast %mul3A_272 : f32 to vector<16xf32>
      %mul3A_274 = arith.mulf %convert_element_type3A_271, %mul3A_273 : vector<16xf32>
      %add3A_275 = arith.addf %mul3A_274, %add3A_270 : vector<16xf32>
      %sub3A_276 = arith.constant 1.000000e+00 : f32
      %sub3A_277 = vector.broadcast %sub3A_276 : f32 to vector<16xf32>
      %sub3A_278 = arith.subf %select_n3A_244, %sub3A_277 : vector<16xf32>
      %mul3A_279 = arith.mulf %sub3A_278, %add3A_275 : vector<16xf32>
      %add3A_280 = arith.addf %scan3A_41, %mul3A_279 : vector<16xf32>
      %add3A_281 = arith.constant 64 : i32
      %add3A_282 = arith.addi %mul3A_73, %add3A_281 : i32
      %get3A_283 = arith.index_cast %select_n3A : i32 to index
      %get3A_284 = arith.index_cast %add3A_282 : i32 to index
      %get3A_285 = tpu.vector_load %arg5[%get3A_283, %get3A_284] {strides = array<i32>} : memref<4x8192xf32, #tpu.memory_space<vmem>>, vector<1x16xf32>,
      %get3A_286 = vector.shape_cast %get3A_285 : vector<1x16xf32> to vector<16xf32>
      %get3A_287 = arith.index_cast %select_n3A : i32 to index
      %get3A_288 = arith.index_cast %add3A_282 : i32 to index
      %get3A_289 = tpu.vector_load %arg6[%get3A_287, %get3A_288] {strides = array<i32>} : memref<4x8192xf32, #tpu.memory_space<vmem>>, vector<1x16xf32>,
      %get3A_290 = vector.shape_cast %get3A_289 : vector<1x16xf32> to vector<16xf32>
      %eq3A_291 = arith.constant 1.000000e+00 : f32
      %eq3A_292 = vector.broadcast %eq3A_291 : f32 to vector<16xf32>
      %eq3A_293 = arith.cmpf oeq, %get3A_290, %eq3A_292 : vector<16xf32>
      %sub3A_294 = arith.constant 1.000000e+00 : f32
      %sub3A_295 = vector.broadcast %sub3A_294 : f32 to vector<16xf32>
      %sub3A_296 = arith.subf %sub3A_295, %get3A_286 : vector<16xf32>
      %select_n3A_297 = arith.select %eq3A_293, %get3A_286, %sub3A_296 : vector<16xi1>, vector<16xf32>
      %bitcast_convert_type3A_298 = tpu.bitcast %select_n3A_297 : vector<16xf32> -> vector<16xi32>
      %sub3A_299 = arith.constant 1060439283 : i32
      %sub3A_300 = vector.broadcast %sub3A_299 : i32 to vector<16xi32>
      %sub3A_301 = arith.subi %bitcast_convert_type3A_298, %sub3A_300 : vector<16xi32>
      %shift_right_arithmetic3A_302 = arith.constant 23 : i32
      %shift_right_arithmetic3A_303 = vector.broadcast %shift_right_arithmetic3A_302 : i32 to vector<16xi32>
      %shift_right_arithmetic3A_304 = arith.shrsi %sub3A_301, %shift_right_arithmetic3A_303 : vector<16xi32>
      %shift_left3A_305 = arith.constant 23 : i32
      %shift_left3A_306 = vector.broadcast %shift_left3A_305 : i32 to vector<16xi32>
      %shift_left3A_307 = arith.shli %shift_right_arithmetic3A_304, %shift_left3A_306 : vector<16xi32>
      %sub3A_308 = arith.subi %bitcast_convert_type3A_298, %shift_left3A_307 : vector<16xi32>
      %bitcast_convert_type3A_309 = tpu.bitcast %sub3A_308 : vector<16xi32> -> vector<16xf32>
      %mul3A_310 = arith.constant 3.017500e-01 : f32
      %mul3A_311 = vector.broadcast %mul3A_310 : f32 to vector<16xf32>
      %mul3A_312 = arith.mulf %mul3A_311, %bitcast_convert_type3A_309 : vector<16xf32>
      %add3A_313 = arith.constant -1.427180e+00 : f32
      %add3A_314 = vector.broadcast %add3A_313 : f32 to vector<16xf32>
      %add3A_315 = arith.addf %mul3A_312, %add3A_314 : vector<16xf32>
      %mul3A_316 = arith.mulf %add3A_315, %bitcast_convert_type3A_309 : vector<16xf32>
      %add3A_317 = arith.constant 2.95129299 : f32
      %add3A_318 = vector.broadcast %add3A_317 : f32 to vector<16xf32>
      %add3A_319 = arith.addf %mul3A_316, %add3A_318 : vector<16xf32>
      %mul3A_320 = arith.mulf %add3A_319, %bitcast_convert_type3A_309 : vector<16xf32>
      %add3A_321 = arith.constant -1.82562256 : f32
      %add3A_322 = vector.broadcast %add3A_321 : f32 to vector<16xf32>
      %add3A_323 = arith.addf %mul3A_320, %add3A_322 : vector<16xf32>
      %convert_element_type3A_324 = arith.sitofp %shift_right_arithmetic3A_304 : vector<16xi32> to vector<16xf32>
      %mul3A_325 = arith.constant 0.693147182 : f32
      %mul3A_326 = vector.broadcast %mul3A_325 : f32 to vector<16xf32>
      %mul3A_327 = arith.mulf %convert_element_type3A_324, %mul3A_326 : vector<16xf32>
      %add3A_328 = arith.addf %mul3A_327, %add3A_323 : vector<16xf32>
      %sub3A_329 = arith.constant 1.000000e+00 : f32
      %sub3A_330 = vector.broadcast %sub3A_329 : f32 to vector<16xf32>
      %sub3A_331 = arith.subf %select_n3A_297, %sub3A_330 : vector<16xf32>
      %mul3A_332 = arith.mulf %sub3A_331, %add3A_328 : vector<16xf32>
      %add3A_333 = arith.addf %add3A_121, %mul3A_332 : vector<16xf32>
      %add3A_334 = arith.constant 80 : i32
      %add3A_335 = arith.addi %mul3A_73, %add3A_334 : i32
      %get3A_336 = arith.index_cast %select_n3A : i32 to index
      %get3A_337 = arith.index_cast %add3A_335 : i32 to index
      %get3A_338 = tpu.vector_load %arg5[%get3A_336, %get3A_337] {strides = array<i32>} : memref<4x8192xf32, #tpu.memory_space<vmem>>, vector<1x16xf32>,
      %get3A_339 = vector.shape_cast %get3A_338 : vector<1x16xf32> to vector<16xf32>
      %get3A_340 = arith.index_cast %select_n3A : i32 to index
      %get3A_341 = arith.index_cast %add3A_335 : i32 to index
      %get3A_342 = tpu.vector_load %arg6[%get3A_340, %get3A_341] {strides = array<i32>} : memref<4x8192xf32, #tpu.memory_space<vmem>>, vector<1x16xf32>,
      %get3A_343 = vector.shape_cast %get3A_342 : vector<1x16xf32> to vector<16xf32>
      %eq3A_344 = arith.constant 1.000000e+00 : f32
      %eq3A_345 = vector.broadcast %eq3A_344 : f32 to vector<16xf32>
      %eq3A_346 = arith.cmpf oeq, %get3A_343, %eq3A_345 : vector<16xf32>
      %sub3A_347 = arith.constant 1.000000e+00 : f32
      %sub3A_348 = vector.broadcast %sub3A_347 : f32 to vector<16xf32>
      %sub3A_349 = arith.subf %sub3A_348, %get3A_339 : vector<16xf32>
      %select_n3A_350 = arith.select %eq3A_346, %get3A_339, %sub3A_349 : vector<16xi1>, vector<16xf32>
      %bitcast_convert_type3A_351 = tpu.bitcast %select_n3A_350 : vector<16xf32> -> vector<16xi32>
      %sub3A_352 = arith.constant 1060439283 : i32
      %sub3A_353 = vector.broadcast %sub3A_352 : i32 to vector<16xi32>
      %sub3A_354 = arith.subi %bitcast_convert_type3A_351, %sub3A_353 : vector<16xi32>
      %shift_right_arithmetic3A_355 = arith.constant 23 : i32
      %shift_right_arithmetic3A_356 = vector.broadcast %shift_right_arithmetic3A_355 : i32 to vector<16xi32>
      %shift_right_arithmetic3A_357 = arith.shrsi %sub3A_354, %shift_right_arithmetic3A_356 : vector<16xi32>
      %shift_left3A_358 = arith.constant 23 : i32
      %shift_left3A_359 = vector.broadcast %shift_left3A_358 : i32 to vector<16xi32>
      %shift_left3A_360 = arith.shli %shift_right_arithmetic3A_357, %shift_left3A_359 : vector<16xi32>
      %sub3A_361 = arith.subi %bitcast_convert_type3A_351, %shift_left3A_360 : vector<16xi32>
      %bitcast_convert_type3A_362 = tpu.bitcast %sub3A_361 : vector<16xi32> -> vector<16xf32>
      %mul3A_363 = arith.constant 3.017500e-01 : f32
      %mul3A_364 = vector.broadcast %mul3A_363 : f32 to vector<16xf32>
      %mul3A_365 = arith.mulf %mul3A_364, %bitcast_convert_type3A_362 : vector<16xf32>
      %add3A_366 = arith.constant -1.427180e+00 : f32
      %add3A_367 = vector.broadcast %add3A_366 : f32 to vector<16xf32>
      %add3A_368 = arith.addf %mul3A_365, %add3A_367 : vector<16xf32>
      %mul3A_369 = arith.mulf %add3A_368, %bitcast_convert_type3A_362 : vector<16xf32>
      %add3A_370 = arith.constant 2.95129299 : f32
      %add3A_371 = vector.broadcast %add3A_370 : f32 to vector<16xf32>
      %add3A_372 = arith.addf %mul3A_369, %add3A_371 : vector<16xf32>
      %mul3A_373 = arith.mulf %add3A_372, %bitcast_convert_type3A_362 : vector<16xf32>
      %add3A_374 = arith.constant -1.82562256 : f32
      %add3A_375 = vector.broadcast %add3A_374 : f32 to vector<16xf32>
      %add3A_376 = arith.addf %mul3A_373, %add3A_375 : vector<16xf32>
      %convert_element_type3A_377 = arith.sitofp %shift_right_arithmetic3A_357 : vector<16xi32> to vector<16xf32>
      %mul3A_378 = arith.constant 0.693147182 : f32
      %mul3A_379 = vector.broadcast %mul3A_378 : f32 to vector<16xf32>
      %mul3A_380 = arith.mulf %convert_element_type3A_377, %mul3A_379 : vector<16xf32>
      %add3A_381 = arith.addf %mul3A_380, %add3A_376 : vector<16xf32>
      %sub3A_382 = arith.constant 1.000000e+00 : f32
      %sub3A_383 = vector.broadcast %sub3A_382 : f32 to vector<16xf32>
      %sub3A_384 = arith.subf %select_n3A_350, %sub3A_383 : vector<16xf32>
      %mul3A_385 = arith.mulf %sub3A_384, %add3A_381 : vector<16xf32>
      %add3A_386 = arith.addf %add3A_174, %mul3A_385 : vector<16xf32>
      %add3A_387 = arith.constant 96 : i32
      %add3A_388 = arith.addi %mul3A_73, %add3A_387 : i32
      %get3A_389 = arith.index_cast %select_n3A : i32 to index
      %get3A_390 = arith.index_cast %add3A_388 : i32 to index
      %get3A_391 = tpu.vector_load %arg5[%get3A_389, %get3A_390] {strides = array<i32>} : memref<4x8192xf32, #tpu.memory_space<vmem>>, vector<1x16xf32>,
      %get3A_392 = vector.shape_cast %get3A_391 : vector<1x16xf32> to vector<16xf32>
      %get3A_393 = arith.index_cast %select_n3A : i32 to index
      %get3A_394 = arith.index_cast %add3A_388 : i32 to index
      %get3A_395 = tpu.vector_load %arg6[%get3A_393, %get3A_394] {strides = array<i32>} : memref<4x8192xf32, #tpu.memory_space<vmem>>, vector<1x16xf32>,
      %get3A_396 = vector.shape_cast %get3A_395 : vector<1x16xf32> to vector<16xf32>
      %eq3A_397 = arith.constant 1.000000e+00 : f32
      %eq3A_398 = vector.broadcast %eq3A_397 : f32 to vector<16xf32>
      %eq3A_399 = arith.cmpf oeq, %get3A_396, %eq3A_398 : vector<16xf32>
      %sub3A_400 = arith.constant 1.000000e+00 : f32
      %sub3A_401 = vector.broadcast %sub3A_400 : f32 to vector<16xf32>
      %sub3A_402 = arith.subf %sub3A_401, %get3A_392 : vector<16xf32>
      %select_n3A_403 = arith.select %eq3A_399, %get3A_392, %sub3A_402 : vector<16xi1>, vector<16xf32>
      %bitcast_convert_type3A_404 = tpu.bitcast %select_n3A_403 : vector<16xf32> -> vector<16xi32>
      %sub3A_405 = arith.constant 1060439283 : i32
      %sub3A_406 = vector.broadcast %sub3A_405 : i32 to vector<16xi32>
      %sub3A_407 = arith.subi %bitcast_convert_type3A_404, %sub3A_406 : vector<16xi32>
      %shift_right_arithmetic3A_408 = arith.constant 23 : i32
      %shift_right_arithmetic3A_409 = vector.broadcast %shift_right_arithmetic3A_408 : i32 to vector<16xi32>
      %shift_right_arithmetic3A_410 = arith.shrsi %sub3A_407, %shift_right_arithmetic3A_409 : vector<16xi32>
      %shift_left3A_411 = arith.constant 23 : i32
      %shift_left3A_412 = vector.broadcast %shift_left3A_411 : i32 to vector<16xi32>
      %shift_left3A_413 = arith.shli %shift_right_arithmetic3A_410, %shift_left3A_412 : vector<16xi32>
      %sub3A_414 = arith.subi %bitcast_convert_type3A_404, %shift_left3A_413 : vector<16xi32>
      %bitcast_convert_type3A_415 = tpu.bitcast %sub3A_414 : vector<16xi32> -> vector<16xf32>
      %mul3A_416 = arith.constant 3.017500e-01 : f32
      %mul3A_417 = vector.broadcast %mul3A_416 : f32 to vector<16xf32>
      %mul3A_418 = arith.mulf %mul3A_417, %bitcast_convert_type3A_415 : vector<16xf32>
      %add3A_419 = arith.constant -1.427180e+00 : f32
      %add3A_420 = vector.broadcast %add3A_419 : f32 to vector<16xf32>
      %add3A_421 = arith.addf %mul3A_418, %add3A_420 : vector<16xf32>
      %mul3A_422 = arith.mulf %add3A_421, %bitcast_convert_type3A_415 : vector<16xf32>
      %add3A_423 = arith.constant 2.95129299 : f32
      %add3A_424 = vector.broadcast %add3A_423 : f32 to vector<16xf32>
      %add3A_425 = arith.addf %mul3A_422, %add3A_424 : vector<16xf32>
      %mul3A_426 = arith.mulf %add3A_425, %bitcast_convert_type3A_415 : vector<16xf32>
      %add3A_427 = arith.constant -1.82562256 : f32
      %add3A_428 = vector.broadcast %add3A_427 : f32 to vector<16xf32>
      %add3A_429 = arith.addf %mul3A_426, %add3A_428 : vector<16xf32>
      %convert_element_type3A_430 = arith.sitofp %shift_right_arithmetic3A_410 : vector<16xi32> to vector<16xf32>
      %mul3A_431 = arith.constant 0.693147182 : f32
      %mul3A_432 = vector.broadcast %mul3A_431 : f32 to vector<16xf32>
      %mul3A_433 = arith.mulf %convert_element_type3A_430, %mul3A_432 : vector<16xf32>
      %add3A_434 = arith.addf %mul3A_433, %add3A_429 : vector<16xf32>
      %sub3A_435 = arith.constant 1.000000e+00 : f32
      %sub3A_436 = vector.broadcast %sub3A_435 : f32 to vector<16xf32>
      %sub3A_437 = arith.subf %select_n3A_403, %sub3A_436 : vector<16xf32>
      %mul3A_438 = arith.mulf %sub3A_437, %add3A_434 : vector<16xf32>
      %add3A_439 = arith.addf %add3A_227, %mul3A_438 : vector<16xf32>
      %add3A_440 = arith.constant 112 : i32
      %add3A_441 = arith.addi %mul3A_73, %add3A_440 : i32
      %get3A_442 = arith.index_cast %select_n3A : i32 to index
      %get3A_443 = arith.index_cast %add3A_441 : i32 to index
      %get3A_444 = tpu.vector_load %arg5[%get3A_442, %get3A_443] {strides = array<i32>} : memref<4x8192xf32, #tpu.memory_space<vmem>>, vector<1x16xf32>,
      %get3A_445 = vector.shape_cast %get3A_444 : vector<1x16xf32> to vector<16xf32>
      %get3A_446 = arith.index_cast %select_n3A : i32 to index
      %get3A_447 = arith.index_cast %add3A_441 : i32 to index
      %get3A_448 = tpu.vector_load %arg6[%get3A_446, %get3A_447] {strides = array<i32>} : memref<4x8192xf32, #tpu.memory_space<vmem>>, vector<1x16xf32>,
      %get3A_449 = vector.shape_cast %get3A_448 : vector<1x16xf32> to vector<16xf32>
      %eq3A_450 = arith.constant 1.000000e+00 : f32
      %eq3A_451 = vector.broadcast %eq3A_450 : f32 to vector<16xf32>
      %eq3A_452 = arith.cmpf oeq, %get3A_449, %eq3A_451 : vector<16xf32>
      %sub3A_453 = arith.constant 1.000000e+00 : f32
      %sub3A_454 = vector.broadcast %sub3A_453 : f32 to vector<16xf32>
      %sub3A_455 = arith.subf %sub3A_454, %get3A_445 : vector<16xf32>
      %select_n3A_456 = arith.select %eq3A_452, %get3A_445, %sub3A_455 : vector<16xi1>, vector<16xf32>
      %bitcast_convert_type3A_457 = tpu.bitcast %select_n3A_456 : vector<16xf32> -> vector<16xi32>
      %sub3A_458 = arith.constant 1060439283 : i32
      %sub3A_459 = vector.broadcast %sub3A_458 : i32 to vector<16xi32>
      %sub3A_460 = arith.subi %bitcast_convert_type3A_457, %sub3A_459 : vector<16xi32>
      %shift_right_arithmetic3A_461 = arith.constant 23 : i32
      %shift_right_arithmetic3A_462 = vector.broadcast %shift_right_arithmetic3A_461 : i32 to vector<16xi32>
      %shift_right_arithmetic3A_463 = arith.shrsi %sub3A_460, %shift_right_arithmetic3A_462 : vector<16xi32>
      %shift_left3A_464 = arith.constant 23 : i32
      %shift_left3A_465 = vector.broadcast %shift_left3A_464 : i32 to vector<16xi32>
      %shift_left3A_466 = arith.shli %shift_right_arithmetic3A_463, %shift_left3A_465 : vector<16xi32>
      %sub3A_467 = arith.subi %bitcast_convert_type3A_457, %shift_left3A_466 : vector<16xi32>
      %bitcast_convert_type3A_468 = tpu.bitcast %sub3A_467 : vector<16xi32> -> vector<16xf32>
      %mul3A_469 = arith.constant 3.017500e-01 : f32
      %mul3A_470 = vector.broadcast %mul3A_469 : f32 to vector<16xf32>
      %mul3A_471 = arith.mulf %mul3A_470, %bitcast_convert_type3A_468 : vector<16xf32>
      %add3A_472 = arith.constant -1.427180e+00 : f32
      %add3A_473 = vector.broadcast %add3A_472 : f32 to vector<16xf32>
      %add3A_474 = arith.addf %mul3A_471, %add3A_473 : vector<16xf32>
      %mul3A_475 = arith.mulf %add3A_474, %bitcast_convert_type3A_468 : vector<16xf32>
      %add3A_476 = arith.constant 2.95129299 : f32
      %add3A_477 = vector.broadcast %add3A_476 : f32 to vector<16xf32>
      %add3A_478 = arith.addf %mul3A_475, %add3A_477 : vector<16xf32>
      %mul3A_479 = arith.mulf %add3A_478, %bitcast_convert_type3A_468 : vector<16xf32>
      %add3A_480 = arith.constant -1.82562256 : f32
      %add3A_481 = vector.broadcast %add3A_480 : f32 to vector<16xf32>
      %add3A_482 = arith.addf %mul3A_479, %add3A_481 : vector<16xf32>
      %convert_element_type3A_483 = arith.sitofp %shift_right_arithmetic3A_463 : vector<16xi32> to vector<16xf32>
      %mul3A_484 = arith.constant 0.693147182 : f32
      %mul3A_485 = vector.broadcast %mul3A_484 : f32 to vector<16xf32>
      %mul3A_486 = arith.mulf %convert_element_type3A_483, %mul3A_485 : vector<16xf32>
      %add3A_487 = arith.addf %mul3A_486, %add3A_482 : vector<16xf32>
      %sub3A_488 = arith.constant 1.000000e+00 : f32
      %sub3A_489 = vector.broadcast %sub3A_488 : f32 to vector<16xf32>
      %sub3A_490 = arith.subf %select_n3A_456, %sub3A_489 : vector<16xf32>
      %mul3A_491 = arith.mulf %sub3A_490, %add3A_487 : vector<16xf32>
      %add3A_492 = arith.addf %add3A_280, %mul3A_491 : vector<16xf32>
      scf.yield %add3A_333, %add3A_386, %add3A_439, %add3A_492 : vector<16xf32>, vector<16xf32>, vector<16xf32>, vector<16xf32>
    }
    %scan3A_28 = arith.constant 256 : i32
    %add3A_29 = arith.addf %scan3A_27#0, %scan3A_27#1 : vector<16xf32>
    %add3A_30 = arith.addf %add3A_29, %scan3A_27#2 : vector<16xf32>
    %add3A_31 = arith.addf %add3A_30, %scan3A_27#3 : vector<16xf32>
    %swap3A = arith.constant 0 : index
    %swap3A_32 = tpu.vector_load %arg7[%swap3A] {strides = array<i32>} : memref<16xf32, #tpu.memory_space<vmem>>, vector<16xf32>,
    %swap3A_33 = vector.shape_cast %swap3A_32 : vector<16xf32> to vector<16xf32>
    %swap3A_34 = vector.shape_cast %add3A_31 : vector<16xf32> to vector<16xf32>
    tpu.vector_store %arg7[%swap3A], %swap3A_34 {strides = array<i32>} : memref<16xf32, #tpu.memory_space<vmem>>, vector<16xf32>,
    %mul3A_35 = arith.constant 16 : i32
    %mul3A_36 = arith.muli %add3A, %mul3A_35 : i32
    "tpu.region"() ({
      %run_scoped3A = tpu.sem_alloc : memref<!tpu.dma_semaphore, #tpu.memory_space<semaphore_mem>>
      %dma_start3A_37 = tpu.memref_slice %arg4[%mul3A_36] : memref<512xf32, #tpu.memory_space<hbm>> -> memref<16xf32, #tpu.memory_space<hbm>>
      %dma_start3A_38 = tpu.memref_slice %arg4[%mul3A_36] : memref<512xf32, #tpu.memory_space<hbm>> -> memref<16xf32, #tpu.memory_space<hbm>>
      tpu.enqueue_dma source(%arg7 : memref<16xf32, #tpu.memory_space<vmem>>) target(%dma_start3A_38 : memref<16xf32, #tpu.memory_space<hbm>>) target_semaphore(%run_scoped3A : memref<!tpu.dma_semaphore, #tpu.memory_space<semaphore_mem>>)
      %dma_wait3A_39 = tpu.memref_slice %arg4[%mul3A_36] : memref<512xf32, #tpu.memory_space<hbm>> -> memref<16xf32, #tpu.memory_space<hbm>>
      %dma_wait3A_40 = tpu.memref_slice %arg4[%mul3A_36] : memref<512xf32, #tpu.memory_space<hbm>> -> memref<16xf32, #tpu.memory_space<hbm>>
      tpu.wait_dma2 semaphore(%run_scoped3A : memref<!tpu.dma_semaphore, #tpu.memory_space<semaphore_mem>>) src(%arg7 : memref<16xf32, #tpu.memory_space<vmem>>) dst(%dma_wait3A_40 : memref<16xf32, #tpu.memory_space<hbm>>)
      tpu.yield
    }) : () -> ()
    return
  }
}

</mosaic_0001>

<sc_bundles>
// kernel: kernel.3.cloned.1.call-start
scs
__scs_entry_jumppad:
0x0: {  	(pc) =	sbr.rel $0x88, $3  }
0x1: {  	(tag) =	ssettag $0x0;
	lr =	simm.s32 $0x1  }
0x2: {  	[smem:$0x3F9F] =	sst lr;
	_ =	strace $0xD0000000  }
0x3: {  	_ = 	snop  }
0x4: {  	_ = 	snop  }
0x5: {  	_ = 	snop  }
0x6: {  	_ = 	snop  }
0x7: {  	_ = 	snop  }
__scs_overlays_trampoline_lowered:
0x8: {  	[smem:$0x3FAE] =	sst s0  }
0x9: {  	[smem:$0x3FAF] =	sst s1  }
0xa: {  	[smem:$0x3FB0] =	sst s2  }
0xb: {  	[smem:$0x3FB1] =	sst s3  }
0xc: {  	[smem:$0x3FB2] =	sst s4  }
0xd: {  	[smem:$0x3FB3] =	sst s5  }
0xe: {  	[smem:$0x3FB4] =	sst s6  }
0xf: {  	[smem:$0x3FB5] =	sst s7  }
0x10: {  	[smem:$0x3FB6] =	sst s8  }
0x11: {  	[smem:$0x3FB7] =	sst s9;
	s0 =	simm.s32 @!p0 $0x0  }
0x12: {  	s1 =	sld [smem:$0x3F9D];
	s0 =	simm.s32 @p0 $0x1  }
0x13: {  	[smem:$0x3FB8] =	sst s0;
	s0 =	simm.s32 @!p1 $0x0  }
0x14: {  	s2 =	sld [smem:$0x3F9C];
	s0 =	simm.s32 @p1 $0x1  }
0x15: {  	[smem:$0x3FB9] =	sst s0;
	s0 =	simm.s32 @!p2 $0x0  }
0x16: {  	s3 =	sld [smem:$0x3FDB];
	s0 =	simm.s32 @p2 $0x1  }
0x17: {  	s4 =	simm.s32 $0x1BF5;
	[smem:$0x3FBB] =	sst s0  }
0x18: {  	s0 =	sld [smem:$0x3F9E];
	_ =	swait.ge [sflag:s4], $0x0  }
0x19: {  	s7 =	sld [smem:$0x3F9F]  }
0x1a: {  	s8 =	sadd.s32 $0xFFFFE003, lr  }
0x1b: {  	s9 =	sadd.s32 $0xFFFFFEF7, lr;
	s5 =	simm.s32 $0xFFFFFFFF;
	p2 =	slt.u32 s8, $0xFFFFF086  }
0x1c: {  	p1 =	slt.u32 s9, $0xF7A;
	s5 =	simm.s32 @!p2 $0x0  }
0x1d: {  	s5 =	simm.s32 @p1 $0x1;
	p0 =	seq.s32 s7, s2  }
0x1e: {  	s7 =	smul.u32 @!p0 $0xF7A, s2;
	p2 =	seq.s32 @!p0 s5, $0x0  }
0x1f: {  	s9 =	smul.u32 $0xF7A, s1;
	s8 =	simm.s32 @!p0 $0x1BF5;
	p2 =	por !p2, p0  }
0x20: {  	[sflag:s8] =	ssyncset.s32 @!p0 $0xFFFFF086;
	s6 =	sadd.s32 @!p0 s3, s7;
	s7 =	simm.s32 @!p0 $0x108  }
0x21: {  	s3 =	sadd.s32 s3, s9;
	s6 =	sadd.s32 @!p0 $0x88, s6;
	s7 =	simm.s32 @p2 $0x1082  }
0x22: {  	[simem:s7], [sflag:s8] =	dma.local @!p0 [hbm:s6], $0xF7A  }
0x23: {  	s9 =	sor.u32 $0xD0000000, s2;
	s6 =	simm.s32 $0x108;
	_ =	swait.ge @!p0 [sflag:s8], $0x0  }
0x24: {  	s3 =	sadd.s32 $0x88, s3;
	s6 =	simm.s32 @!p1 $0x1082;
	[sflag:s4] =	ssyncset.s32 $0xFFFFF086  }
0x25: {  	[simem:s6], [sflag:s4] =	dma.local [hbm:s3], $0xF7A  }
0x26: {  	[smem:$0x3F9F] =	sst s1;
	(tag) =	ssettag s2;
	_ =	strace s9  }
0x27: {  	s1 =	sld [smem:$0x3FAF]  }
0x28: {  	s2 =	sld [smem:$0x3FB0]  }
0x29: {  	s4 =	sld [smem:$0x3FB2]  }
0x2a: {  	p0 =	seq.s32 s5, $0x0;
	s5 =	sld [smem:$0x3FB3]  }
0x2b: {  	s6 =	sld [smem:$0x3FB4]  }
0x2c: {  	s7 =	sld [smem:$0x3FB5]  }
0x2d: {  	s3 =	simm.s32 $0x108;
	s8 =	sld [smem:$0x3FB6]  }
0x2e: {  	s3 =	simm.s32 @!p0 $0x1082;
	s9 =	sld [smem:$0x3FB7]  }
0x2f: {  	lr =	sadd.s32 s0, s3;
	s0 =	sld [smem:$0x3FAE]  }
0x30: {  	s3 =	sld [smem:$0x3FB1]  }
0x31: {  	[smem:$0x3FBA] =	sst s10  }
0x32: {  	s10 =	sld [smem:$0x3FB8];
	_ =	sdelay $0x3  }
0x33: {  	p0 =	seq.s32 s10, $0x1;
	s10 =	sld [smem:$0x3FBA];
	_ =	sdelay $0x3  }
0x34: {  	[smem:$0x3FBA] =	sst s10  }
0x35: {  	s10 =	sld [smem:$0x3FB9];
	_ =	sdelay $0x3  }
0x36: {  	p1 =	seq.s32 s10, $0x1;
	s10 =	sld [smem:$0x3FBA];
	_ =	sdelay $0x3  }
0x37: {  	[smem:$0x3FBA] =	sst s10  }
0x38: {  	s10 =	sld [smem:$0x3FBB]  }
0x39: {  	_ = 	snop;
	(pc) =	sbr.ind lr, $3  }
0x3a: {  	_ = 	snop  }
0x3b: {  	_ = 	snop  }
0x3c: {  	p2 =	seq.s32 s10, $0x1;
	s10 =	sld [smem:$0x3FBA]  }
0x3d: {  	_ =	shalt  }
0x3e: {  	_ =	shalt  }
0x3f: {  	_ =	shalt  }
0x40: {  	_ =	shalt  }
0x41: {  	_ =	shalt  }
0x42: {  	_ =	shalt  }
0x43: {  	_ =	shalt  }
0x44: {  	_ =	shalt  }
0x45: {  	_ =	shalt  }
0x46: {  	_ =	shalt  }
0x47: {  	_ =	shalt  }
0x48: {  	_ =	shalt  }
0x49: {  	_ =	shalt  }
0x4a: {  	_ =	shalt  }
0x4b: {  	_ =	shalt  }
0x4c: {  	_ =	shalt  }
0x4d: {  	_ =	shalt  }
0x4e: {  	_ =	shalt  }
0x4f: {  	_ =	shalt  }
0x50: {  	_ =	shalt  }
0x51: {  	_ =	shalt  }
0x52: {  	_ =	shalt  }
0x53: {  	_ =	shalt  }
0x54: {  	_ =	shalt  }
0x55: {  	_ =	shalt  }
0x56: {  	_ =	shalt  }
0x57: {  	_ =	shalt  }
0x58: {  	_ =	shalt  }
0x59: {  	_ =	shalt  }
0x5a: {  	_ =	shalt  }
0x5b: {  	_ =	shalt  }
0x5c: {  	_ =	shalt  }
0x5d: {  	_ =	shalt  }
0x5e: {  	_ =	shalt  }
0x5f: {  	_ =	shalt  }
0x60: {  	_ =	shalt  }
0x61: {  	_ =	shalt  }
0x62: {  	_ =	shalt  }
0x63: {  	_ =	shalt  }
0x64: {  	_ =	shalt  }
0x65: {  	_ =	shalt  }
0x66: {  	_ =	shalt  }
0x67: {  	_ =	shalt  }
0x68: {  	_ =	shalt  }
0x69: {  	_ =	shalt  }
0x6a: {  	_ =	shalt  }
0x6b: {  	_ =	shalt  }
0x6c: {  	_ =	shalt  }
0x6d: {  	_ =	shalt  }
0x6e: {  	_ =	shalt  }
0x6f: {  	_ =	shalt  }
0x70: {  	_ =	shalt  }
0x71: {  	_ =	shalt  }
0x72: {  	_ =	shalt  }
0x73: {  	_ =	shalt  }
0x74: {  	_ =	shalt  }
0x75: {  	_ =	shalt  }
0x76: {  	_ =	shalt  }
0x77: {  	_ =	shalt  }
0x78: {  	_ =	shalt  }
0x79: {  	_ =	shalt  }
0x7a: {  	_ =	shalt  }
0x7b: {  	_ =	shalt  }
0x7c: {  	_ =	shalt  }
0x7d: {  	_ =	shalt  }
0x7e: {  	_ =	shalt  }
0x7f: {  	_ =	shalt  }
0x80: {  	_ =	shalt  }
0x81: {  	_ =	shalt  }
0x82: {  	_ =	shalt  }
0x83: {  	_ =	shalt  }
0x84: {  	_ =	shalt  }
0x85: {  	_ =	shalt  }
0x86: {  	_ =	shalt  }
0x87: {  	_ =	shalt  }
.Lfunc_end0:
.L_simem_size_0:
called_computation_lowered:
.L_overlay_start_0:
0x88: {  	s2 =	sld [smem:$0x3FD9]  }
0x89: {  	s3 =	sld [smem:$0x3FFE];
	_ =	sdelay $0x1  }
0x8a: {  	s1 =	srdreg.scid  }
0x8b: {  	s0 =	sand.u32 $0x1, s1  }
0x8c: {  	s17 =	sshll.u32 s0, $0xA;
	s2 =	sadd.s32 s3, s2  }
0x8d: {  	s2 =	sadd.s32 s2, s17  }
0x8e: {  	[smem:$0x3FC6] =	sst s2  }
0x8f: {  	_ = 	snop  }
0x90: {  	s2 =	sld [smem:$0x3FC9]  }
0x91: {  	s18 =	sld [smem:$0x3FC8];
	(tm) =	ssettm $0x1  }
0x92: {  	s4 =	sld [smem:$0x3FFB];
	_ =	sdelay $0x3  }
0x93: {  	_ =	strace s4  }
0x94: {  	s4 =	sld [smem:$0x3FFC];
	_ =	sdelay $0x3  }
0x95: {  	_ =	strace s4  }
0x96: {  	s4 =	sld [smem:$0x3FFD];
	_ =	sdelay $0x3  }
0x97: {  	_ =	strace s4  }
0x98: {  	_ =	strace $0x8FFFFFFF  }
0x99: {  	s19 =	sld [smem:$0x3FDB];
	_ =	sdelay $0x1  }
0x9a: {  	s5 =	simm.s32 $_scs_section_size  }
0x9b: {  	s6 =	simm.s32 $_size__tile_overlayer_lowered;
	s7 =	simm.s32 $_tile_overlayer_lowered  }
0x9c: {  	s22 =	simm.s32 $0x1BFF;
	s21 =	sshll.u32 s7, $0x1;
	s4 =	sadd.s32 s5, s19  }
0x9d: {  	s8 =	simm.s32 $0x0;
	s20 =	sshll.u32 s6, $0x1;
	s6 =	sadd.s32 s21, s4  }
0x9e: {  	[timem:s8], [sflag:s22] =	dma.local [hbm:s6], s20  }
0x9f: {  	_ =	swait.ge [sflag:s22], s20  }
0xa0: {  	s5 =	ssub.s32 $0x0, s20;
	[sflag:s22] =	ssyncset.done $0x0  }
0xa1: {  	[sflag:s22] =	ssyncadd.s32 s5;
	_ =	sdelay $0x1  }
0xa2: {  	s23 =	simm.s32 $0x1B8B  }
0xa3: {  	_ =	swait.ge [sflag:s23], $0x1  }
0xa4: {  	[sflag:s23] =	ssyncset.done $0x0  }
0xa5: {  	s25 =	simm.s32 $0x1B8E;
	s24 =	sld [smem:$0x3FFE];
	[sflag:s23] =	ssyncadd.s32 $0xFFFFFFFF  }
0xa6: {  	s26 =	simm.s32 $execute0_lowered;
	[smem:$0x3FD2] =	sst s25  }
0xa7: {  	s6 =	sshll.u32 s26, $0x1;
	_ =	strace $0x80000046;
	[dreg:$0x1] =	wrdreg $0xFFFFFFFF  }
0xa8: {  	s28 =	simm.s32 $_size_execute0_lowered;
	s4 =	sadd.s32 s4, s6;
	[dreg:$0x0] =	wrdreg $0x0  }
0xa9: {  	s6 =	sshll.u32 s28, $0x1;
	[dreg:$0x2] =	wrdreg s4  }
0xaa: {  	[dreg:$0x3] =	wrdreg s6  }
0xab: {  	[dreg:$0x4] =	wrdreg $0xC0  }
0xac: {  	_ =	task [dreg:s8], $0x5FFFF  }
0xad: {  	[dreg:$0x1] =	wrdreg $0xFFFFFFFF  }
0xae: {  	[dreg:$0x0] =	wrdreg $0x60  }
0xaf: {  	[dreg:$0x2] =	wrdreg s2  }
0xb0: {  	[dreg:$0x3] =	wrdreg s18  }
0xb1: {  	[dreg:$0x4] =	wrdreg s24  }
0xb2: {  	[dreg:$0x5] =	wrdreg $0x9  }
0xb3: {  	_ =	task.clear_ibuf [dreg:s8], $0x6FFFF;
	_ =	strace $0x90000046  }
0xb4: {  	s29 =	simm.s32 $0x9;
	_ =	strace $0x80000048  }
0xb5: {  	_ =	swait.ge [sflag:s29], $0x1  }
0xb6: {  	[sflag:s29] =	ssyncadd.s32 $0xFFFFFFFF  }
0xb7: {  	_ =	strace $0x90000048  }
0xb8: {  	_ =	sfence  }
0xb9: {  	s30 =	sld [smem:$0x0];
	_ =	sdelay $0x2  }
0xba: {  	s31 =	sshll.u32 s1, $0xD;
	s1 =	sshrl.u32 s1, $0x2  }
0xbb: {  	s3 =	sand.u32 $0x4000, s31;
	s1 =	sadd.s32 s1, s30  }
0xbc: {  	s0 =	sor.u32 s3, s0;
	s1 =	sshll.u32 s1, $0x11  }
0xbd: {  	s0 =	sor.u32 s1, s0  }
0xbe: {  	s0 =	sadd.s32 $0x8F2B, s0  }
0xbf: {  	[sflag:s0] =	ssyncadd.remote.s32 $0x1  }
0xc0: {  	_ =	sfence.sel $0xFFFF  }
0xc1: {  	[dreg:$0x0] =	wrdreg $0xFFFFFFFF;
	(pc) =	sbr.abs _section_cstart, $3  }
0xc2: {  	[dreg:$0x1] =	wrdreg $0xFFFFFFFF  }
0xc3: {  	_ =	task.clear_ibuf [dreg:s8], $0x2FFFF;
	_ =	strace $0x9FFFFFFF  }
0xc4: {  	(tm) =	ssettm $0x7FFFFFFF  }
0xc5: {  	_ =	shalt  }
tec
execute0_lowered:
.L_overlay_start_1:
0x0: {  	(tag) =	ssettag $0x1  }
0x1: {  	s3 =	rddreg [dreg:$0x0]  }
0x2: {  	s4 =	rddreg [dreg:$0x1]  }
0x3: {  	s5 =	rddreg [dreg:$0x2]  }
0x4: {  	s0 =	rddreg [dreg:$0x3];
	s2 =	simm.s32 $0x0;
	s6 =	srdreg.scid  }
0x5: {  	s1 =	stileid.u32;
	s11 =	simm.s32 $0x10000;
	s12 =	simm.s32 $0x2  }
0x6: {  	s13 =	simm.s32 $0x0;
	[smem:$0x7FF] =	sst s2;
	s6 =	sand.u32 $0x1, s6  }
0x7: {  	s8 =	sshll.u32 s1, $0xD;
	s31 =	sshll.u32 s1, $0x2;
	s7 =	ssub.s32 $0x2, s6  }
0x8: {  	s9 =	sshll.u32 s6, $0x6;
	_ =	strace $0x80000047;
	s6 =	sshll.u32 s6, $0x1  }
0x9: {  	s10 =	sshrl.u32 s7, $0x1;
	s8 =	sor.u32 s9, s8;
	s5 =	sadd.s32 s5, s6  }
0xa: {  	s9 =	simm.s32 $0x8000;
	s7 =	ssub.s32 s7, s10;
	s3 =	sadd.s32 s3, s8  }
0xb: {  	s4 =	sadd.s32 s4, s8;
	s5 =	sadd.s32 s31, s5;
	s8 =	simm.s32 $0x400  }
0xc: {  	s10 =	simm.s32 $0x1;
	s6 =	smax.u32 s7, $0x1;
	s7 =	simm.s32 $0x200  }
.LBB2_1:
0xd: {  	[tilespmem:s2], [sflag:$0x1] =	stream.strided.gather [hbm4b:s3+s7], $0x8000, s8, s7, $0x38;
	[tilespmem:$0x10080] =	vst v63  }
0xe: {  	_ = 	snop  }
0xf: {  	[tilespmem:s9], [sflag:$0x1] =	stream.strided.gather [hbm4b:s4+s7], $0x8000, s8, s7, $0x38;
	[tilespmem:$0x10080] =	vst v63  }
0x10: {  	_ =	swait.ge [sflag:s10], $0x8000  }
0x11: {  	[sflag:s10] =	ssyncset.done $0x0  }
0x12: {  	[sflag:s10] =	ssyncadd.s32 $0xFFFF8000  }
0x13: {  	_ =	swait.ge [sflag:s10], $0x8000  }
0x14: {  	s14 =	sand.u32 $0x7E00, s2;
	s15 =	sand.u32 $0x180, s2;
	[sflag:s10] =	ssyncset.done $0x0  }
0x15: {  	s14 =	sor.u32 s15, s14;
	[sflag:s10] =	ssyncadd.s32 $0xFFFF8000  }
0x16: {  	v1 =	vld [tilespmem:s14+$0x8040]  }
0x17: {  	v2 =	vld [tilespmem:s14+$0x8050]  }
0x18: {  	v3 =	vld [tilespmem:s14+$0x8060]  }
0x19: {  	v4 =	vld [tilespmem:s14+$0x8070]  }
0x1a: {  	v5 =	vld [tilespmem:s14+$0x40]  }
0x1b: {  	v6 =	vld [tilespmem:s14+$0x50]  }
0x1c: {  	v7 =	vld [tilespmem:s14+$0x60]  }
0x1d: {  	v8 =	vld [tilespmem:s14+$0x70]  }
0x1e: {  	v9 =	vld [tilespmem:s14+$0x8000]  }
0x1f: {  	v10 =	vld [tilespmem:s14+$0x8010]  }
0x20: {  	v11 =	vld [tilespmem:s14+$0x8020]  }
0x21: {  	v12 =	vld [tilespmem:s14+$0x8030]  }
0x22: {  	v13 =	vld [tilespmem:s14+$0x0]  }
0x23: {  	v14 =	vld [tilespmem:s14+$0x10]  }
0x24: {  	v21 =	vld [tilespmem:s14+$0x20]  }
0x25: {  	v0 =	vimm.f32 $0.0e+00;
	v22 =	vld [tilespmem:s14+$0x30];
	vm0 =	veq.f32 v1, $1.000000000e+00  }
0x26: {  	v1 =	vsub.f32 $1.000000000e+00, v5;
	vm1 =	veq.f32 v2, $1.000000000e+00;
	vm2 =	veq.f32 v3, $1.000000000e+00  }
0x27: {  	v2 =	vsub.f32 $1.000000000e+00, v6;
	v3 =	vsub.f32 $1.000000000e+00, v7;
	vm3 =	veq.f32 v4, $1.000000000e+00  }
0x28: {  	vm4 =	veq.f32 v9, $1.000000000e+00;
	vm5 =	veq.f32 v10, $1.000000000e+00;
	v4 =	vsub.f32 $1.000000000e+00, v8  }
0x29: {  	v9 =	vsub.f32 $1.000000000e+00, v13;
	v10 =	vsub.f32 $1.000000000e+00, v14;
	vm6 =	veq.f32 v11, $1.000000000e+00  }
0x2a: {  	v11 =	vsub.f32 $1.000000000e+00, v21;
	vm7 =	veq.f32 v12, $1.000000000e+00;
	v12 =	vsub.f32 $1.000000000e+00, v22  }
0x2b: {  	v17 =	vsel vm0, v5, v1;
	v18 =	vsel vm1, v6, v2;
	v15 =	vsel vm2, v7, v3  }
0x2c: {  	v19 =	vsel vm4, v13, v9;
	v16 =	vsel vm5, v14, v10;
	v20 =	vsel vm3, v8, v4  }
0x2d: {  	v13 =	vsel vm6, v21, v11;
	v7 =	vadd.f32 $-1.000000000e+00, v17;
	v6 =	vadd.f32 $-1.000000000e+00, v18  }
0x2e: {  	v14 =	vsel vm7, v22, v12;
	v3 =	vadd.f32 $-1.000000000e+00, v15;
	v1 =	vadd.f32 $-1.000000000e+00, v20  }
0x2f: {  	v8 =	vadd.f32 $-1.000000000e+00, v19;
	v9 =	vadd.f32 $-1.000000000e+00, v16;
	v2 =	vadd.s32 $0xC0CAFB0D, v17  }
0x30: {  	v4 =	vadd.s32 $0xC0CAFB0D, v18;
	v5 =	vadd.s32 $0xC0CAFB0D, v15;
	v10 =	vadd.s32 $0xC0CAFB0D, v20  }
0x31: {  	v11 =	vadd.s32 $0xC0CAFB0D, v19;
	v12 =	vadd.s32 $0xC0CAFB0D, v16;
	v32 =	vadd.s32 $0xC0CAFB0D, v13  }
0x32: {  	v34 =	vadd.s32 $0xC0CAFB0D, v14;
	v21 =	vshra.s32 v2, $0x17;
	v22 =	vshra.s32 v4, $0x17  }
0x33: {  	v23 =	vshra.s32 v11, $0x17;
	v33 =	vshra.s32 v5, $0x17;
	v35 =	vshra.s32 v10, $0x17  }
0x34: {  	v36 =	vshra.s32 v12, $0x17;
	v37 =	vshra.s32 v32, $0x17;
	v26 =	vshra.s32 v34, $0x17  }
0x35: {  	v27 =	vand.u32 $0xFF800000, v2;
	v28 =	vand.u32 $0xFF800000, v4;
	v25 =	vand.u32 $0xFF800000, v5  }
0x36: {  	v29 =	vand.u32 $0xFF800000, v11;
	v30 =	vand.u32 $0xFF800000, v10;
	v31 =	vand.u32 $0xFF800000, v12  }
0x37: {  	v5 =	vimm.f32 $0.0e+00;
	v4 =	vimm.f32 $0.0e+00;
	v21 =	vcvt.s32.f32 v21  }
0x38: {  	v2 =	vimm.f32 $0.0e+00;
	v24 =	vcvt.s32.f32 v22;
	v22 =	vcvt.s32.f32 v33  }
0x39: {  	v23 =	vcvt.s32.f32 v23;
	v33 =	vand.u32 $0xFF800000, v32;
	v10 =	vcvt.s32.f32 v35  }
0x3a: {  	s15 =	simm.s32 $0x0;
	s14 =	simm.s32 $0x2;
	v12 =	vcvt.s32.f32 v36;
	v11 =	vcvt.s32.f32 v37;
	v32 =	vand.u32 $0xFF800000, v34  }
.LBB2_2:
0x3b: {  	p0 =	sne.s32 s14, $0x1FE;
	v26 =	vcvt.s32.f32 v26;
	v17 =	vsub.s32 v17, v27;
	v18 =	vsub.s32 v18, v28  }
0x3c: {  	v19 =	vsub.s32 v19, v29;
	v15 =	vsub.s32 v15, v25;
	v20 =	vsub.s32 v20, v30  }
0x3d: {  	v16 =	vsub.s32 v16, v31;
	v25 =	vmul.f32 $3.017500040e-01, v17;
	v27 =	vmul.f32 $3.017500040e-01, v18  }
0x3e: {  	v28 =	vsub.s32 v13, v33;
	v29 =	vmul.f32 $3.017500040e-01, v15;
	v30 =	vmul.f32 $3.017500040e-01, v20  }
0x3f: {  	v32 =	vsub.s32 v14, v32;
	v31 =	vmul.f32 $3.017500040e-01, v19;
	v33 =	vmul.f32 $3.017500040e-01, v16  }
0x40: {  	v13 =	vadd.f32 $-1.000000000e+00, v13;
	v34 =	vmul.f32 $3.017500040e-01, v28;
	v35 =	vmul.f32 $3.017500040e-01, v32  }
0x41: {  	v14 =	vadd.f32 $-1.000000000e+00, v14;
	v21 =	vmul.f32 $6.931471820e-01, v21;
	v24 =	vmul.f32 $6.931471820e-01, v24  }
0x42: {  	v22 =	vmul.f32 $6.931471820e-01, v22;
	v25 =	vadd.f32 $-1.427180050e+00, v25;
	v27 =	vadd.f32 $-1.427180050e+00, v27  }
0x43: {  	v23 =	vmul.f32 $6.931471820e-01, v23;
	v29 =	vadd.f32 $-1.427180050e+00, v29;
	v30 =	vadd.f32 $-1.427180050e+00, v30  }
0x44: {  	v31 =	vadd.f32 $-1.427180050e+00, v31;
	v33 =	vadd.f32 $-1.427180050e+00, v33;
	v25 =	vmul.f32 v17, v25  }
0x45: {  	v34 =	vadd.f32 $-1.427180050e+00, v34;
	v27 =	vmul.f32 v18, v27;
	v29 =	vmul.f32 v15, v29  }
0x46: {  	v35 =	vadd.f32 $-1.427180050e+00, v35;
	v31 =	vmul.f32 v19, v31;
	v30 =	vmul.f32 v20, v30  }
0x47: {  	s15 =	sadd.s32 $0x200, s15;
	v33 =	vmul.f32 v16, v33;
	v25 =	vadd.f32 $2.951292990e+00, v25;
	v27 =	vadd.f32 $2.951292990e+00, v27  }
0x48: {  	s17 =	sand.u32 $0x180, s14;
	s16 =	sand.u32 $0x7E00, s15;
	v34 =	vmul.f32 v28, v34;
	v29 =	vadd.f32 $2.951292990e+00, v29;
	v30 =	vadd.f32 $2.951292990e+00, v30  }
0x49: {  	s16 =	sor.u32 s17, s16;
	v35 =	vmul.f32 v32, v35;
	v31 =	vadd.f32 $2.951292990e+00, v31;
	v33 =	vadd.f32 $2.951292990e+00, v33  }
0x4a: {  	v34 =	vadd.f32 $2.951292990e+00, v34;
	v17 =	vmul.f32 v17, v25;
	v18 =	vmul.f32 v18, v27;
	v36 =	vld [tilespmem:s16+$0x8040]  }
0x4b: {  	v27 =	vadd.f32 $2.951292990e+00, v35;
	v15 =	vmul.f32 v15, v29;
	v20 =	vmul.f32 v20, v30;
	v25 =	vld [tilespmem:s16+$0x8050]  }
0x4c: {  	v19 =	vmul.f32 v19, v31;
	v16 =	vmul.f32 v16, v33;
	v17 =	vadd.f32 $-1.825622560e+00, v17;
	v29 =	vld [tilespmem:s16+$0x8060]  }
0x4d: {  	v28 =	vmul.f32 v28, v34;
	v18 =	vadd.f32 $-1.825622560e+00, v18;
	v15 =	vadd.f32 $-1.825622560e+00, v15;
	v30 =	vld [tilespmem:s16+$0x8070]  }
0x4e: {  	v19 =	vadd.f32 $-1.825622560e+00, v19;
	v27 =	vmul.f32 v32, v27;
	v20 =	vadd.f32 $-1.825622560e+00, v20;
	v31 =	vld [tilespmem:s16+$0x40]  }
0x4f: {  	v12 =	vmul.f32 $6.931471820e-01, v12;
	v16 =	vadd.f32 $-1.825622560e+00, v16;
	v28 =	vadd.f32 $-1.825622560e+00, v28;
	v32 =	vld [tilespmem:s16+$0x50]  }
0x50: {  	v11 =	vmul.f32 $6.931471820e-01, v11;
	v27 =	vadd.f32 $-1.825622560e+00, v27;
	v17 =	vadd.f32 v17, v21;
	v33 =	vld [tilespmem:s16+$0x60]  }
0x51: {  	v19 =	vadd.f32 v19, v23;
	v23 =	vmul.f32 $6.931471820e-01, v26;
	v18 =	vadd.f32 v18, v24;
	v21 =	vld [tilespmem:s16+$0x70]  }
0x52: {  	v10 =	vmul.f32 $6.931471820e-01, v10;
	v12 =	vadd.f32 v16, v12;
	v11 =	vadd.f32 v28, v11;
	v24 =	vld [tilespmem:s16+$0x8000]  }
0x53: {  	v23 =	vadd.f32 v27, v23;
	v7 =	vmul.f32 v17, v7;
	v6 =	vmul.f32 v18, v6;
	v16 =	vld [tilespmem:s16+$0x8010]  }
0x54: {  	v8 =	vmul.f32 v19, v8;
	v9 =	vmul.f32 v12, v9;
	v12 =	vadd.f32 v15, v22;
	v17 =	vld [tilespmem:s16+$0x8020]  }
0x55: {  	v10 =	vadd.f32 v20, v10;
	v11 =	vmul.f32 v11, v13;
	v13 =	vmul.f32 v23, v14;
	v15 =	vld [tilespmem:s16+$0x8030]  }
0x56: {  	v0 =	vadd.f32 v8, v0;
	v5 =	vadd.f32 v9, v5;
	v3 =	vmul.f32 v12, v3;
	v14 =	vld [tilespmem:s16+$0x0]  }
0x57: {  	v1 =	vmul.f32 v10, v1;
	v4 =	vadd.f32 v11, v4;
	v2 =	vadd.f32 v13, v2;
	v8 =	vld [tilespmem:s16+$0x10]  }
0x58: {  	v0 =	vadd.f32 v7, v0;
	v5 =	vadd.f32 v6, v5;
	v9 =	vld [tilespmem:s16+$0x20]  }
0x59: {  	v4 =	vadd.f32 v3, v4;
	vm0 =	veq.f32 v36, $1.000000000e+00;
	v2 =	vadd.f32 v1, v2;
	v10 =	vld [tilespmem:s16+$0x30]  }
0x5a: {  	vm1 =	veq.f32 v25, $1.000000000e+00;
	vm2 =	veq.f32 v29, $1.000000000e+00;
	v1 =	vsub.f32 $1.000000000e+00, v31  }
0x5b: {  	vm3 =	veq.f32 v30, $1.000000000e+00;
	v3 =	vsub.f32 $1.000000000e+00, v32;
	v6 =	vsub.f32 $1.000000000e+00, v33  }
0x5c: {  	v7 =	vsub.f32 $1.000000000e+00, v21;
	vm4 =	veq.f32 v24, $1.000000000e+00;
	vm5 =	veq.f32 v16, $1.000000000e+00  }
0x5d: {  	vm6 =	veq.f32 v17, $1.000000000e+00;
	v11 =	vsub.f32 $1.000000000e+00, v14;
	v12 =	vsub.f32 $1.000000000e+00, v8  }
0x5e: {  	vm7 =	veq.f32 v15, $1.000000000e+00;
	v13 =	vsub.f32 $1.000000000e+00, v9;
	v22 =	vsub.f32 $1.000000000e+00, v10  }
0x5f: {  	v18 =	vsel vm1, v32, v3;
	v17 =	vsel vm0, v31, v1;
	v15 =	vsel vm2, v33, v6  }
0x60: {  	v20 =	vsel vm3, v21, v7;
	v19 =	vsel vm4, v14, v11;
	v16 =	vsel vm5, v8, v12  }
0x61: {  	v7 =	vadd.f32 $-1.000000000e+00, v17;
	v6 =	vadd.f32 $-1.000000000e+00, v18;
	v13 =	vsel vm6, v9, v13  }
0x62: {  	v1 =	vadd.f32 $-1.000000000e+00, v20;
	v3 =	vadd.f32 $-1.000000000e+00, v15;
	v14 =	vsel vm7, v10, v22  }
0x63: {  	v8 =	vadd.f32 $-1.000000000e+00, v19;
	v9 =	vadd.f32 $-1.000000000e+00, v16;
	v10 =	vadd.s32 $0xC0CAFB0D, v17  }
0x64: {  	v11 =	vadd.s32 $0xC0CAFB0D, v18;
	v12 =	vadd.s32 $0xC0CAFB0D, v15;
	v22 =	vadd.s32 $0xC0CAFB0D, v20  }
0x65: {  	v21 =	vadd.s32 $0xC0CAFB0D, v19;
	v23 =	vadd.s32 $0xC0CAFB0D, v16;
	v32 =	vadd.s32 $0xC0CAFB0D, v13  }
0x66: {  	v33 =	vshra.s32 v11, $0x17;
	v34 =	vadd.s32 $0xC0CAFB0D, v14;
	v24 =	vshra.s32 v10, $0x17  }
0x67: {  	v35 =	vshra.s32 v21, $0x17;
	v36 =	vshra.s32 v12, $0x17;
	v37 =	vshra.s32 v22, $0x17  }
0x68: {  	v38 =	vshra.s32 v23, $0x17;
	v39 =	vshra.s32 v32, $0x17;
	v26 =	vshra.s32 v34, $0x17  }
.Ltmp0:
0x69: {  	v28 =	vand.u32 $0xFF800000, v11;
	v25 =	vand.u32 $0xFF800000, v12;
	v27 =	vand.u32 $0xFF800000, v10;
	(pc) =	sbr.rel @p0 .LBB2_2-.Ltmp0, $4  }
0x6a: {  	v29 =	vand.u32 $0xFF800000, v21;
	v30 =	vand.u32 $0xFF800000, v22;
	v21 =	vcvt.s32.f32 v24  }
0x6b: {  	v31 =	vand.u32 $0xFF800000, v23;
	v22 =	vcvt.s32.f32 v36;
	v24 =	vcvt.s32.f32 v33  }
0x6c: {  	v23 =	vcvt.s32.f32 v35;
	v33 =	vand.u32 $0xFF800000, v32;
	v10 =	vcvt.s32.f32 v37  }
0x6d: {  	s14 =	sadd.s32 $0x2, s14;
	v12 =	vcvt.s32.f32 v38;
	v11 =	vcvt.s32.f32 v39;
	v32 =	vand.u32 $0xFF800000, v34  }
0x6e: {  	v26 =	vcvt.s32.f32 v26;
	v17 =	vsub.s32 v17, v27;
	v18 =	vsub.s32 v18, v28  }
0x6f: {  	v19 =	vsub.s32 v19, v29;
	v15 =	vsub.s32 v15, v25;
	v20 =	vsub.s32 v20, v30  }
0x70: {  	v16 =	vsub.s32 v16, v31;
	v21 =	vmul.f32 $6.931471820e-01, v21;
	v24 =	vmul.f32 $6.931471820e-01, v24  }
0x71: {  	v50 =	vsub.s32 v13, v33;
	v22 =	vmul.f32 $6.931471820e-01, v22;
	v23 =	vmul.f32 $6.931471820e-01, v23  }
0x72: {  	v32 =	vsub.s32 v14, v32;
	v48 =	vmul.f32 $3.017500040e-01, v17;
	v49 =	vmul.f32 $3.017500040e-01, v18  }
0x73: {  	v54 =	vadd.f32 $-1.000000000e+00, v13;
	v51 =	vmul.f32 $3.017500040e-01, v15;
	v30 =	vmul.f32 $3.017500040e-01, v20  }
0x74: {  	v55 =	vadd.f32 $-1.000000000e+00, v14;
	v52 =	vmul.f32 $3.017500040e-01, v19;
	v53 =	vmul.f32 $3.017500040e-01, v16  }
0x75: {  	v34 =	vmul.f32 $3.017500040e-01, v50;
	v25 =	vadd.f32 $-1.427180050e+00, v48;
	v27 =	vadd.f32 $-1.427180050e+00, v49  }
0x76: {  	v35 =	vmul.f32 $3.017500040e-01, v32;
	v29 =	vadd.f32 $-1.427180050e+00, v51;
	v30 =	vadd.f32 $-1.427180050e+00, v30  }
0x77: {  	v31 =	vadd.f32 $-1.427180050e+00, v52;
	v33 =	vadd.f32 $-1.427180050e+00, v53;
	v25 =	vmul.f32 v17, v25  }
0x78: {  	v34 =	vadd.f32 $-1.427180050e+00, v34;
	v27 =	vmul.f32 v18, v27;
	v29 =	vmul.f32 v15, v29  }
0x79: {  	v35 =	vadd.f32 $-1.427180050e+00, v35;
	v31 =	vmul.f32 v19, v31;
	v30 =	vmul.f32 v20, v30  }
0x7a: {  	v33 =	vmul.f32 v16, v33;
	v25 =	vadd.f32 $2.951292990e+00, v25;
	v27 =	vadd.f32 $2.951292990e+00, v27  }
0x7b: {  	v34 =	vmul.f32 v50, v34;
	v29 =	vadd.f32 $2.951292990e+00, v29;
	v30 =	vadd.f32 $2.951292990e+00, v30  }
0x7c: {  	v35 =	vmul.f32 v32, v35;
	v31 =	vadd.f32 $2.951292990e+00, v31;
	v33 =	vadd.f32 $2.951292990e+00, v33  }
0x7d: {  	v34 =	vadd.f32 $2.951292990e+00, v34;
	v17 =	vmul.f32 v17, v25;
	v18 =	vmul.f32 v18, v27  }
0x7e: {  	v56 =	vadd.f32 $2.951292990e+00, v35;
	v15 =	vmul.f32 v15, v29;
	v20 =	vmul.f32 v20, v30  }
0x7f: {  	v19 =	vmul.f32 v19, v31;
	v16 =	vmul.f32 v16, v33;
	v17 =	vadd.f32 $-1.825622560e+00, v17  }
0x80: {  	v57 =	vmul.f32 v50, v34;
	v18 =	vadd.f32 $-1.825622560e+00, v18;
	v15 =	vadd.f32 $-1.825622560e+00, v15  }
0x81: {  	v25 =	vmul.f32 v32, v56;
	v19 =	vadd.f32 $-1.825622560e+00, v19;
	v20 =	vadd.f32 $-1.825622560e+00, v20  }
0x82: {  	v12 =	vmul.f32 $6.931471820e-01, v12;
	v16 =	vadd.f32 $-1.825622560e+00, v16;
	v27 =	vadd.f32 $-1.825622560e+00, v57  }
0x83: {  	v11 =	vmul.f32 $6.931471820e-01, v11;
	v25 =	vadd.f32 $-1.825622560e+00, v25;
	v17 =	vadd.f32 v17, v21  }
0x84: {  	v58 =	vmul.f32 $6.931471820e-01, v26;
	v19 =	vadd.f32 v19, v23;
	v12 =	vadd.f32 v16, v12  }
0x85: {  	v10 =	vmul.f32 $6.931471820e-01, v10;
	v59 =	vadd.f32 v18, v24;
	v11 =	vadd.f32 v27, v11  }
0x86: {  	v60 =	vadd.f32 v25, v58;
	v8 =	vmul.f32 v19, v8;
	v9 =	vmul.f32 v12, v9  }
0x87: {  	v61 =	vadd.f32 v15, v22;
	v7 =	vmul.f32 v17, v7;
	v11 =	vmul.f32 v11, v54  }
0x88: {  	v6 =	vmul.f32 v59, v6;
	v0 =	vadd.f32 v8, v0;
	v5 =	vadd.f32 v9, v5  }
0x89: {  	v63 =	vadd.f32 v20, v10;
	v62 =	vmul.f32 v60, v55;
	v4 =	vadd.f32 v11, v4  }
0x8a: {  	v3 =	vmul.f32 v61, v3;
	v0 =	vadd.f32 v7, v0;
	v5 =	vadd.f32 v6, v5  }
0x8b: {  	v2 =	vadd.f32 v62, v2  }
0x8c: {  	v1 =	vmul.f32 v63, v1;
	v3 =	vadd.f32 v3, v4;
	v0 =	vadd.f32 v5, v0;
	_ =	sdelay $0x1  }
0x8d: {  	v1 =	vadd.f32 v1, v2;
	v0 =	vadd.f32 v3, v0;
	_ =	sdelay $0x1  }
0x8e: {  	s13 =	sadd.s32 $0x1, s13;
	v0 =	vadd.f32 v1, v0  }
0x8f: {  	p0 =	sne.s32 s13, s6  }
.Ltmp1:
0x90: {  	[tilespmem:$0x10000] =	vst v0;
	(pc) =	sbr.rel @p0 .LBB2_1-.Ltmp1, $4  }
0x91: {  	[hbm4b:s5+s2] =	stream.linear.scatter [tilespmem:s11], [sflag:$0x2], $0x10, $0x38;
	[tilespmem:$0x10080] =	vst v63  }
0x92: {  	_ =	swait.ge [sflag:s12], $0x10  }
0x93: {  	[sflag:s12] =	ssyncset.done $0x0  }
0x94: {  	[sflag:s12] =	ssyncadd.s32 $0xFFFFFFF0  }
0x95: {  	_ =	sfence.sel $0x180000  }
0x96: {  	[bflag:$0x0] =	sbarrier.arrive $0xFFFF  }
0x97: {  	p0 =	sne.s32 s1, $0x0;
	_ =	strace $0x90000047  }
0x98: {  	s0 =	sadd.s32 @!p0 $0x100000, s0;
	[bflag:$0x2] =	sbarrier.arrive $0xFFFF  }
0x99: {  	[sflag:s0] =	ssyncadd.tile.s32 @!p0 $0x1;
	_ =	shalt  }
.Lfunc_end2:
_tile_overlayer_lowered:
.L_overlay_start_2:
0x9a: {  	(tag) =	ssettag $0x2  }
0x9b: {  	s0 =	rddreg [dreg:$0x0];
	s2 =	stileid.u32  }
0x9c: {  	s1 =	rddreg [dreg:$0x1];
	p0 =	sne.s32 s2, $0x0  }
0x9d: {  	s3 =	rddreg [dreg:$0x2];
	[bflag:$0x3] =	sbarrier.arrive $0xFFFF;
	s2 =	simm.s32 @!p0 $0x1C02  }
0x9e: {  	[timem:s3], [sflag:s2] =	dma.local @!p0 [hbm:s0], s1  }
0x9f: {  	s0 =	simm.s32 @!p0 $0x2  }
0xa0: {  	_ =	swait.ge @!p0 [sflag:s0], s1  }
0xa1: {  	s1 =	ssub.s32 @!p0 $0x0, s1;
	[sflag:s0] =	ssyncset.done @!p0 $0x0  }
0xa2: {  	[sflag:s0] =	ssyncadd.s32 @!p0 s1  }
0xa3: {  	[bflag:$0x3] =	sbarrier.arrive $0xFFFF  }
0xa4: {  	_ =	shalt  }

</sc_bundles>
